<compile_context>
chip_gen: v7x
topology: tpu7x:2x2x1
jax: 0.10.2.dev20260603
libtpu: 0.0.44.dev20260713+nightly
codegen_flags: <defaults>
</compile_context>

<pallas_src>
import functools

import jax
import jax.numpy as jnp
from jax import lax
from jax.experimental import pallas as pl
from jax.experimental.pallas import tpu as pltpu
from jax.experimental.pallas import tpu_sc as plsc

N_ITEMS = 100000
N_USERS = 100000
K = 200
P = 50
B = 4096
L = 16
W = 128

NC = 2
NS = 16
NW = NC * NS
QW = B // NW
CH = 32
NCH = QW // CH
TBL = N_ITEMS + L

K_OFFS = [16 * g for g in range(12)] + [K - L]
K_TAIL_FRESH = 8
P_OFFS = [0, 16, 32, P - L]
P_TAIL_FRESH = 14


def _knn_body(i_hbm, u_hbm, nidxp_hbm, nsimp_hbm, profp_hbm, out_hbm,
              tbl, sbuf, i_v, u_v, nidx_v, nsim_v, prof_v, score_v, sem):
    wid = lax.axis_index("s") * NC + lax.axis_index("c")
    base = wid * QW
    lane = lax.iota(jnp.int32, L)
    zeros = jnp.zeros((L,), jnp.float32)

    def zero_body(j, carry):
        tbl[pl.ds(j * L, L)] = zeros
        return carry
    lax.fori_loop(0, TBL // L, zero_body, 0)

    sbuf[pl.ds(0, L)] = jnp.full((L,), -1, jnp.int32)
    sbuf[pl.ds(2 * L, L)] = jnp.full((L,), -2, jnp.int32)

    def histo_add(pidx):
        sk = jnp.sort(pidx)
        sbuf[pl.ds(L, L)] = sk
        prev = sbuf[pl.ds(L - 1, L)]
        nxt = sbuf[pl.ds(L + 1, L)]
        isfirst = sk != prev
        islast = sk != nxt
        run_start = plsc.cummax(jnp.where(isfirst, lane, 0))
        addcnt = (lane - run_start + 1).astype(jnp.float32)
        prevcnt = plsc.load_gather(tbl, [sk])
        plsc.store_scatter(tbl, [sk], prevcnt + addcnt, mask=islast)

    def chunk_body(c, carry):
        off = base + c * CH
        pltpu.sync_copy(i_hbm.at[pl.ds(off, CH)], i_v)
        pltpu.sync_copy(u_hbm.at[pl.ds(off, CH)], u_v)
        cps = [
            pltpu.async_copy(nidxp_hbm.at[i_v], nidx_v, sem),
            pltpu.async_copy(nsimp_hbm.at[i_v], nsim_v, sem),
            pltpu.async_copy(profp_hbm.at[u_v], prof_v, sem),
        ]
        for cp in cps:
            cp.wait()

        def qgrp_body(g, carry2):
            def q_body(qi, sv):
                q = g * L + qi
                for gi, poff in enumerate(P_OFFS):
                    pidx = prof_v[q, pl.ds(poff, L)]
                    if gi == len(P_OFFS) - 1:
                        pidx = jnp.where(lane >= P_TAIL_FRESH, pidx, N_ITEMS)
                    histo_add(pidx)
                acc = zeros
                for gi, koff in enumerate(K_OFFS):
                    kidx = nidx_v[q, pl.ds(koff, L)]
                    ksim = nsim_v[q, pl.ds(koff, L)]
                    if gi == len(K_OFFS) - 1:
                        ksim = jnp.where(lane >= K_TAIL_FRESH, ksim, zeros)
                    cnt = plsc.load_gather(tbl, [kidx])
                    acc = acc + ksim * cnt
                for gi, poff in enumerate(P_OFFS):
                    pidx = prof_v[q, pl.ds(poff, L)]
                    if gi == len(P_OFFS) - 1:
                        pidx = jnp.where(lane >= P_TAIL_FRESH, pidx, N_ITEMS)
                    plsc.store_scatter(tbl, [pidx], zeros)
                return jnp.where(lane == qi, jnp.sum(acc), sv)
            sv = lax.fori_loop(0, L, q_body, zeros)
            score_v[pl.ds(c * CH + g * L, L)] = sv
            return carry2
        lax.fori_loop(0, CH // L, qgrp_body, 0)
        return carry
    lax.fori_loop(0, NCH, chunk_body, 0)

    pltpu.sync_copy(score_v, out_hbm.at[pl.ds(base, QW)])


_knn = functools.partial(
    pl.kernel,
    out_type=jax.ShapeDtypeStruct((B,), jnp.float32),
    mesh=plsc.VectorSubcoreMesh(core_axis_name="c", subcore_axis_name="s"),
    compiler_params=pltpu.CompilerParams(
        needs_layout_passes=False, use_tc_tiling_on_sc=True),
    scratch_types=[
        pltpu.VMEM((TBL,), jnp.float32),
        pltpu.VMEM((3 * L,), jnp.int32),
        pltpu.VMEM((CH,), jnp.int32),
        pltpu.VMEM((CH,), jnp.int32),
        pltpu.VMEM((CH, 2 * W), jnp.int32),
        pltpu.VMEM((CH, 2 * W), jnp.float32),
        pltpu.VMEM((CH, W), jnp.int32),
        pltpu.VMEM((QW,), jnp.float32),
        pltpu.SemaphoreType.DMA,
    ],
)(_knn_body)


PAD_BLK = 1000


def _make_pad(cols_in, cols_out, dtype):
    def body(x_ref, o_ref):
        o_ref[:, :cols_in] = x_ref[...]
        o_ref[:, cols_in:] = jnp.zeros((PAD_BLK, cols_out - cols_in), dtype)

    def pad(x):
        rows = x.shape[0]
        return pl.pallas_call(
            body,
            grid=(rows // PAD_BLK,),
            in_specs=[pl.BlockSpec((PAD_BLK, cols_in), lambda g: (g, 0))],
            out_specs=pl.BlockSpec((PAD_BLK, cols_out), lambda g: (g, 0)),
            out_shape=jax.ShapeDtypeStruct((rows, cols_out), dtype),
        )(x)
    return pad


_pad_nidx = _make_pad(K, 2 * W, jnp.int32)
_pad_nsim = _make_pad(K, 2 * W, jnp.float32)
_pad_prof = _make_pad(P, W, jnp.int32)


def kernel(u, i, nbr_idx, nbr_sim, user_prof):
    i = i.astype(jnp.int32)
    u = u.astype(jnp.int32)
    nidxp = _pad_nidx(nbr_idx)
    nsimp = _pad_nsim(nbr_sim)
    profp = _pad_prof(user_prof)
    return _knn(i, u, nidxp, nsimp, profp)

# --- scband reference (transcript-rebuilt; emitter-appended) ---
"""Pipeline reference for scband-item-knn-62405874811872 (READ-ONLY COPY).

The authoritative reference and input builder live on the scoring server;
editing this copy changes nothing except your own understanding.
"""

import jax, jax.numpy as jnp
import numpy as np

N_USERS = 100000
N_ITEMS = 100000
K = 200   # topk_neighbors per item
P = 50    # padded user profile length (hist_len)
B = 4096  # query batch


def setup_inputs(seed: int = 0) -> dict:
    key = jax.random.key(seed)
    k1, k2, k3, k4, k5 = jax.random.split(key, 5)
    u = jax.random.randint(k1, (B,), 0, N_USERS, dtype=jnp.int32)
    i = jax.random.randint(k2, (B,), 0, N_ITEMS, dtype=jnp.int32)
    # 'learned' (non-parametric, precomputed) state of ItemKNN, represented as
    # padded dense tables: per-item topK neighbor ids + cosine sims, and
    # per-user fixed-length interaction profiles.
    nbr_idx = jax.random.randint(k3, (N_ITEMS, K), 0, N_ITEMS, dtype=jnp.int32)
    nbr_sim = jax.random.uniform(k4, (N_ITEMS, K), dtype=jnp.float32)
    user_prof = jax.random.randint(k5, (N_USERS, P), 0, N_ITEMS, dtype=jnp.int32)
    return {"u": u, "i": i, "nbr_idx": nbr_idx, "nbr_sim": nbr_sim, "user_prof": user_prof}


def reference(u, i, nbr_idx, nbr_sim, user_prof):
    # score(u, i) = sum_{p in profile(u)} sim(p, i)
    # sim(p, i) = nbr_sim[i, k] if nbr_idx[i, k] == p else 0  (dict lookup in original)
    prof = jnp.take(user_prof, u, axis=0)        # [B, P] gather of user profiles
    nidx = jnp.take(nbr_idx, i, axis=0)          # [B, K] gather of neighbor ids
    nsim = jnp.take(nbr_sim, i, axis=0)          # [B, K] gather of neighbor sims
    match = (nidx[:, :, None] == prof[:, None, :]).astype(nsim.dtype)  # [B, K, P]
    score = jnp.sum(nsim[:, :, None] * match, axis=(1, 2))             # [B]
    return score

if __name__ == "__main__":
    import jax
    _d = setup_inputs()
    print(jax.jit(kernel)(*tuple(_d.values())))

</pallas_src>

<mosaic_0001>
#map = affine_map<(d0, d1) -> (0)>
#map1 = affine_map<(d0, d1) -> (0, 0)>
module attributes {stable_mosaic.version = 14 : i64} {
  func.func @_knn_body(%arg0: i32, %arg1: i32, %arg2: memref<4096xi32, #tpu.memory_space<hbm>>, %arg3: memref<4096xi32, #tpu.memory_space<hbm>>, %arg4: memref<100000x256xi32, #tpu.memory_space<hbm>>, %arg5: memref<100000x256xf32, #tpu.memory_space<hbm>>, %arg6: memref<100000x128xi32, #tpu.memory_space<hbm>>, %arg7: memref<4096xf32, #tpu.memory_space<hbm>>, %arg8: memref<100016xf32, #tpu.memory_space<vmem>>, %arg9: memref<48xi32, #tpu.memory_space<vmem>>, %arg10: memref<32xi32, #tpu.memory_space<vmem>>, %arg11: memref<32xi32, #tpu.memory_space<vmem>>, %arg12: memref<32x256xi32, #tpu.memory_space<vmem>>, %arg13: memref<32x256xf32, #tpu.memory_space<vmem>>, %arg14: memref<32x128xi32, #tpu.memory_space<vmem>>, %arg15: memref<128xf32, #tpu.memory_space<vmem>>, %arg16: memref<!tpu.dma_semaphore, #tpu.memory_space<semaphore_mem>>) attributes {dimension_semantics = [#tpu.dimension_semantics<core_parallel>, #tpu.dimension_semantics<subcore_parallel>], iteration_bounds = array<i64: 2, 16>, scalar_prefetch = 0 : i64, scratch_operands = 9 : i64, tpu.core_type = #tpu.core_type<sc_vector_subcore>, window_params = [{transform_indices = #map}, {transform_indices = #map}, {transform_indices = #map1}, {transform_indices = #map1}, {transform_indices = #map1}, {transform_indices = #map}]} {
    %mul3A = arith.constant 2 : i32
    %mul3A_0 = arith.muli %arg1, %mul3A : i32
    %add3A = arith.addi %mul3A_0, %arg0 : i32
    %mul3A_1 = arith.constant 128 : i32
    %mul3A_2 = arith.muli %add3A, %mul3A_1 : i32
    %iota3A = tpu.iota {dimensions = array<i32: 0>} : vector<16xi32>
    %broadcast_in_dim3A = arith.constant 0.000000e+00 : f32
    %broadcast_in_dim3A_3 = vector.broadcast %broadcast_in_dim3A : f32 to vector<16xf32>
    %scan3A = arith.constant 0 : i32
    %scan3A_4 = arith.constant 0 : i32
    %scan3A_5 = arith.constant 6251 : i32
    %scan3A_6 = arith.addi %scan3A_4, %scan3A_5 : i32
    %scan3A_7 = arith.constant 1 : i32
    scf.for %scan3A_22 = %scan3A_4 to %scan3A_6 step %scan3A_7  : i32 {
      %mul3A_23 = arith.constant 16 : i32
      %mul3A_24 = arith.muli %scan3A_22, %mul3A_23 : i32
      %swap3A_25 = arith.index_cast %mul3A_24 : i32 to index
      %swap3A_26 = tpu.vector_load %arg8[%swap3A_25] {strides = array<i32>} : memref<100016xf32, #tpu.memory_space<vmem>>, vector<16xf32>,
      tpu.vector_store %arg8[%swap3A_25], %broadcast_in_dim3A_3 {strides = array<i32>} : memref<100016xf32, #tpu.memory_space<vmem>>, vector<16xf32>,
    }
    %scan3A_8 = arith.constant 6251 : i32
    %broadcast_in_dim3A_9 = arith.constant -1 : i32
    %broadcast_in_dim3A_10 = vector.broadcast %broadcast_in_dim3A_9 : i32 to vector<16xi32>
    %swap3A = arith.constant 0 : index
    %swap3A_11 = tpu.vector_load %arg9[%swap3A] {strides = array<i32>} : memref<48xi32, #tpu.memory_space<vmem>>, vector<16xi32>,
    tpu.vector_store %arg9[%swap3A], %broadcast_in_dim3A_10 {strides = array<i32>} : memref<48xi32, #tpu.memory_space<vmem>>, vector<16xi32>,
    %broadcast_in_dim3A_12 = arith.constant -2 : i32
    %broadcast_in_dim3A_13 = vector.broadcast %broadcast_in_dim3A_12 : i32 to vector<16xi32>
    %swap3A_14 = arith.constant 32 : index
    %swap3A_15 = tpu.vector_load %arg9[%swap3A_14] {strides = array<i32>} : memref<48xi32, #tpu.memory_space<vmem>>, vector<16xi32>,
    tpu.vector_store %arg9[%swap3A_14], %broadcast_in_dim3A_13 {strides = array<i32>} : memref<48xi32, #tpu.memory_space<vmem>>, vector<16xi32>,
    %scan3A_16 = arith.constant 0 : i32
    %scan3A_17 = arith.constant 0 : i32
    %scan3A_18 = arith.constant 4 : i32
    %scan3A_19 = arith.addi %scan3A_17, %scan3A_18 : i32
    %scan3A_20 = arith.constant 1 : i32
    scf.for %scan3A_22 = %scan3A_17 to %scan3A_19 step %scan3A_20  : i32 {
      %mul3A_23 = arith.constant 32 : i32
      %mul3A_24 = arith.muli %scan3A_22, %mul3A_23 : i32
      %add3A_25 = arith.addi %mul3A_2, %mul3A_24 : i32
      "tpu.region"() ({
        %run_scoped3A = tpu.sem_alloc : memref<!tpu.dma_semaphore, #tpu.memory_space<semaphore_mem>>
        %dma_start3A_48 = tpu.memref_slice %arg2[%add3A_25] : memref<4096xi32, #tpu.memory_space<hbm>> -> memref<32xi32, #tpu.memory_space<hbm>>
        %dma_start3A_49 = tpu.memref_slice %arg2[%add3A_25] : memref<4096xi32, #tpu.memory_space<hbm>> -> memref<32xi32, #tpu.memory_space<hbm>>
        tpu.enqueue_dma source(%dma_start3A_49 : memref<32xi32, #tpu.memory_space<hbm>>) target(%arg10 : memref<32xi32, #tpu.memory_space<vmem>>) target_semaphore(%run_scoped3A : memref<!tpu.dma_semaphore, #tpu.memory_space<semaphore_mem>>)
        %dma_wait3A_50 = tpu.memref_slice %arg2[%add3A_25] : memref<4096xi32, #tpu.memory_space<hbm>> -> memref<32xi32, #tpu.memory_space<hbm>>
        %dma_wait3A_51 = tpu.memref_slice %arg2[%add3A_25] : memref<4096xi32, #tpu.memory_space<hbm>> -> memref<32xi32, #tpu.memory_space<hbm>>
        tpu.wait_dma2 semaphore(%run_scoped3A : memref<!tpu.dma_semaphore, #tpu.memory_space<semaphore_mem>>) src(%dma_wait3A_51 : memref<32xi32, #tpu.memory_space<hbm>>) dst(%arg10 : memref<32xi32, #tpu.memory_space<vmem>>)
        tpu.yield
      }) : () -> ()
      "tpu.region"() ({
        %run_scoped3A = tpu.sem_alloc : memref<!tpu.dma_semaphore, #tpu.memory_space<semaphore_mem>>
        %dma_start3A_48 = tpu.memref_slice %arg3[%add3A_25] : memref<4096xi32, #tpu.memory_space<hbm>> -> memref<32xi32, #tpu.memory_space<hbm>>
        %dma_start3A_49 = tpu.memref_slice %arg3[%add3A_25] : memref<4096xi32, #tpu.memory_space<hbm>> -> memref<32xi32, #tpu.memory_space<hbm>>
        tpu.enqueue_dma source(%dma_start3A_49 : memref<32xi32, #tpu.memory_space<hbm>>) target(%arg11 : memref<32xi32, #tpu.memory_space<vmem>>) target_semaphore(%run_scoped3A : memref<!tpu.dma_semaphore, #tpu.memory_space<semaphore_mem>>)
        %dma_wait3A_50 = tpu.memref_slice %arg3[%add3A_25] : memref<4096xi32, #tpu.memory_space<hbm>> -> memref<32xi32, #tpu.memory_space<hbm>>
        %dma_wait3A_51 = tpu.memref_slice %arg3[%add3A_25] : memref<4096xi32, #tpu.memory_space<hbm>> -> memref<32xi32, #tpu.memory_space<hbm>>
        tpu.wait_dma2 semaphore(%run_scoped3A : memref<!tpu.dma_semaphore, #tpu.memory_space<semaphore_mem>>) src(%dma_wait3A_51 : memref<32xi32, #tpu.memory_space<hbm>>) dst(%arg11 : memref<32xi32, #tpu.memory_space<vmem>>)
        tpu.yield
      }) : () -> ()
      %dma_start3A = arith.constant 0 : i32
      %dma_start3A_26 = arith.constant 0 : i32
      %dma_start3A_27 = tpu.memref_slice %arg4[%dma_start3A, %dma_start3A_26] : memref<100000x256xi32, #tpu.memory_space<hbm>> -> memref<100000x256xi32, #tpu.memory_space<hbm>>
      tpu.enqueue_indirect_dma source(%dma_start3A_27 : memref<100000x256xi32, #tpu.memory_space<hbm>>) target(%arg12 : memref<32x256xi32, #tpu.memory_space<vmem>>) offsets(%arg10 : memref<32xi32, #tpu.memory_space<vmem>>) semaphore(%arg16 : memref<!tpu.dma_semaphore, #tpu.memory_space<semaphore_mem>>)
      %dma_start3A_28 = arith.constant 0 : i32
      %dma_start3A_29 = arith.constant 0 : i32
      %dma_start3A_30 = tpu.memref_slice %arg5[%dma_start3A_28, %dma_start3A_29] : memref<100000x256xf32, #tpu.memory_space<hbm>> -> memref<100000x256xf32, #tpu.memory_space<hbm>>
      tpu.enqueue_indirect_dma source(%dma_start3A_30 : memref<100000x256xf32, #tpu.memory_space<hbm>>) target(%arg13 : memref<32x256xf32, #tpu.memory_space<vmem>>) offsets(%arg10 : memref<32xi32, #tpu.memory_space<vmem>>) semaphore(%arg16 : memref<!tpu.dma_semaphore, #tpu.memory_space<semaphore_mem>>)
      %dma_start3A_31 = arith.constant 0 : i32
      %dma_start3A_32 = arith.constant 0 : i32
      %dma_start3A_33 = tpu.memref_slice %arg6[%dma_start3A_31, %dma_start3A_32] : memref<100000x128xi32, #tpu.memory_space<hbm>> -> memref<100000x128xi32, #tpu.memory_space<hbm>>
      tpu.enqueue_indirect_dma source(%dma_start3A_33 : memref<100000x128xi32, #tpu.memory_space<hbm>>) target(%arg14 : memref<32x128xi32, #tpu.memory_space<vmem>>) offsets(%arg11 : memref<32xi32, #tpu.memory_space<vmem>>) semaphore(%arg16 : memref<!tpu.dma_semaphore, #tpu.memory_space<semaphore_mem>>)
      %dma_wait3A = arith.constant 0 : i32
      %dma_wait3A_34 = arith.constant 0 : i32
      %dma_wait3A_35 = tpu.memref_slice %arg4[%dma_wait3A, %dma_wait3A_34] : memref<100000x256xi32, #tpu.memory_space<hbm>> -> memref<100000x256xi32, #tpu.memory_space<hbm>>
      tpu.wait_indirect_dma semaphore(%arg16 : memref<!tpu.dma_semaphore, #tpu.memory_space<semaphore_mem>>) src(%dma_wait3A_35 : memref<100000x256xi32, #tpu.memory_space<hbm>>) dst(%arg12 : memref<32x256xi32, #tpu.memory_space<vmem>>)
      %dma_wait3A_36 = arith.constant 0 : i32
      %dma_wait3A_37 = arith.constant 0 : i32
      %dma_wait3A_38 = tpu.memref_slice %arg5[%dma_wait3A_36, %dma_wait3A_37] : memref<100000x256xf32, #tpu.memory_space<hbm>> -> memref<100000x256xf32, #tpu.memory_space<hbm>>
      tpu.wait_indirect_dma semaphore(%arg16 : memref<!tpu.dma_semaphore, #tpu.memory_space<semaphore_mem>>) src(%dma_wait3A_38 : memref<100000x256xf32, #tpu.memory_space<hbm>>) dst(%arg13 : memref<32x256xf32, #tpu.memory_space<vmem>>)
      %dma_wait3A_39 = arith.constant 0 : i32
      %dma_wait3A_40 = arith.constant 0 : i32
      %dma_wait3A_41 = tpu.memref_slice %arg6[%dma_wait3A_39, %dma_wait3A_40] : memref<100000x128xi32, #tpu.memory_space<hbm>> -> memref<100000x128xi32, #tpu.memory_space<hbm>>
      tpu.wait_indirect_dma semaphore(%arg16 : memref<!tpu.dma_semaphore, #tpu.memory_space<semaphore_mem>>) src(%dma_wait3A_41 : memref<100000x128xi32, #tpu.memory_space<hbm>>) dst(%arg14 : memref<32x128xi32, #tpu.memory_space<vmem>>)
      %scan3A_42 = arith.constant 0 : i32
      %scan3A_43 = arith.constant 0 : i32
      %scan3A_44 = arith.constant 2 : i32
      %scan3A_45 = arith.addi %scan3A_43, %scan3A_44 : i32
      %scan3A_46 = arith.constant 1 : i32
      scf.for %scan3A_48 = %scan3A_43 to %scan3A_45 step %scan3A_46  : i32 {
        %scan3A_49 = arith.constant 0 : i32
        %scan3A_50 = arith.constant 16 : i32
        %scan3A_51 = arith.addi %scan3A_49, %scan3A_50 : i32
        %scan3A_52 = arith.constant 1 : i32
        %scan3A_53 = scf.for %scan3A_62 = %scan3A_49 to %scan3A_51 step %scan3A_52 iter_args(%scan3A_63 = %broadcast_in_dim3A_3) -> (vector<16xf32>)  : i32 {
          %mul3A_64 = arith.constant 16 : i32
          %mul3A_65 = arith.muli %scan3A_48, %mul3A_64 : i32
          %add3A_66 = arith.addi %mul3A_65, %scan3A_62 : i32
          %get3A = arith.index_cast %add3A_66 : i32 to index
          %get3A_67 = arith.constant 0 : index
          %get3A_68 = tpu.vector_load %arg14[%get3A, %get3A_67] {strides = array<i32>} : memref<32x128xi32, #tpu.memory_space<vmem>>, vector<16xi32>,
          %sort3A = arith.constant dense<true> : vector<16xi1>
          %sort3A_69, %sort3A_70, %sort3A_71 = tpu.sort %get3A_68, %get3A_68 masked %sort3A : (vector<16xi32>, vector<16xi32>, vector<16xi1>) -> (vector<16xi1>, vector<16xi32>, vector<16xi32>)
          %swap3A_72 = arith.constant 16 : index
          %swap3A_73 = tpu.vector_load %arg9[%swap3A_72] {strides = array<i32>} : memref<48xi32, #tpu.memory_space<vmem>>, vector<16xi32>,
          tpu.vector_store %arg9[%swap3A_72], %sort3A_70 {strides = array<i32>} : memref<48xi32, #tpu.memory_space<vmem>>, vector<16xi32>,
          %get3A_74 = arith.constant 15 : index
          %get3A_75 = tpu.vector_load %arg9[%get3A_74] {strides = array<i32>} : memref<48xi32, #tpu.memory_space<vmem>>, vector<16xi32>,
          %get3A_76 = arith.constant 17 : index
          %get3A_77 = tpu.vector_load %arg9[%get3A_76] {strides = array<i32>} : memref<48xi32, #tpu.memory_space<vmem>>, vector<16xi32>,
          %ne3A = arith.cmpi ne, %sort3A_70, %get3A_75 : vector<16xi32>
          %ne3A_78 = arith.cmpi ne, %sort3A_70, %get3A_77 : vector<16xi32>
          %jit3A = arith.constant 0 : i32
          %broadcast_in_dim3A_79 = vector.broadcast %jit3A : i32 to vector<16xi32>
          %select_n3A = arith.select %ne3A, %iota3A, %broadcast_in_dim3A_79 : vector<16xi1>, vector<16xi32>
          %broadcast_in_dim3A_80 = arith.constant true
          %broadcast_in_dim3A_81 = vector.broadcast %broadcast_in_dim3A_80 : i1 to vector<16xi1>
          %masked_cummax3A = arith.constant -2147483648 : i32
          %masked_cummax3A_82 = vector.broadcast %masked_cummax3A : i32 to vector<16xi32>
          %masked_cummax3A_83 = arith.xori %select_n3A, %masked_cummax3A_82 : vector<16xi32>
          %masked_cummax3A_84 = tpu.scan <max>, %masked_cummax3A_83 masked %broadcast_in_dim3A_81 : vector<16xi32>, vector<16xi1> -> vector<16xi32>
          %masked_cummax3A_85 = arith.xori %masked_cummax3A_84, %masked_cummax3A_82 : vector<16xi32>
          %sub3A = arith.subi %iota3A, %masked_cummax3A_85 : vector<16xi32>
          %add3A_86 = arith.constant 1 : i32
          %add3A_87 = vector.broadcast %add3A_86 : i32 to vector<16xi32>
          %add3A_88 = arith.addi %sub3A, %add3A_87 : vector<16xi32>
          %convert_element_type3A = arith.sitofp %add3A_88 : vector<16xi32> to vector<16xf32>
          %gather3A = tpu.vector_load_idx %arg8[%sort3A_70] : memref<100016xf32, #tpu.memory_space<vmem>>[vector<16xi32>], vector<16xf32>,
          %add3A_89 = arith.addf %gather3A, %convert_element_type3A : vector<16xf32>
          tpu.vector_store_idx %arg8[%sort3A_70], %add3A_89 masked %ne3A_78 : memref<100016xf32, #tpu.memory_space<vmem>>[vector<16xi32>], vector<16xf32>, vector<16xi1>
          %get3A_90 = arith.index_cast %add3A_66 : i32 to index
          %get3A_91 = arith.constant 16 : index
          %get3A_92 = tpu.vector_load %arg14[%get3A_90, %get3A_91] {strides = array<i32>} : memref<32x128xi32, #tpu.memory_space<vmem>>, vector<16xi32>,
          %sort3A_93 = arith.constant dense<true> : vector<16xi1>
          %sort3A_94, %sort3A_95, %sort3A_96 = tpu.sort %get3A_92, %get3A_92 masked %sort3A_93 : (vector<16xi32>, vector<16xi32>, vector<16xi1>) -> (vector<16xi1>, vector<16xi32>, vector<16xi32>)
          %swap3A_97 = arith.constant 16 : index
          %swap3A_98 = tpu.vector_load %arg9[%swap3A_97] {strides = array<i32>} : memref<48xi32, #tpu.memory_space<vmem>>, vector<16xi32>,
          tpu.vector_store %arg9[%swap3A_97], %sort3A_95 {strides = array<i32>} : memref<48xi32, #tpu.memory_space<vmem>>, vector<16xi32>,
          %get3A_99 = arith.constant 15 : index
          %get3A_100 = tpu.vector_load %arg9[%get3A_99] {strides = array<i32>} : memref<48xi32, #tpu.memory_space<vmem>>, vector<16xi32>,
          %get3A_101 = arith.constant 17 : index
          %get3A_102 = tpu.vector_load %arg9[%get3A_101] {strides = array<i32>} : memref<48xi32, #tpu.memory_space<vmem>>, vector<16xi32>,
          %ne3A_103 = arith.cmpi ne, %sort3A_95, %get3A_100 : vector<16xi32>
          %ne3A_104 = arith.cmpi ne, %sort3A_95, %get3A_102 : vector<16xi32>
          %jit3A_105 = arith.constant 0 : i32
          %broadcast_in_dim3A_106 = vector.broadcast %jit3A_105 : i32 to vector<16xi32>
          %select_n3A_107 = arith.select %ne3A_103, %iota3A, %broadcast_in_dim3A_106 : vector<16xi1>, vector<16xi32>
          %broadcast_in_dim3A_108 = arith.constant true
          %broadcast_in_dim3A_109 = vector.broadcast %broadcast_in_dim3A_108 : i1 to vector<16xi1>
          %masked_cummax3A_110 = arith.constant -2147483648 : i32
          %masked_cummax3A_111 = vector.broadcast %masked_cummax3A_110 : i32 to vector<16xi32>
          %masked_cummax3A_112 = arith.xori %select_n3A_107, %masked_cummax3A_111 : vector<16xi32>
          %masked_cummax3A_113 = tpu.scan <max>, %masked_cummax3A_112 masked %broadcast_in_dim3A_109 : vector<16xi32>, vector<16xi1> -> vector<16xi32>
          %masked_cummax3A_114 = arith.xori %masked_cummax3A_113, %masked_cummax3A_111 : vector<16xi32>
          %sub3A_115 = arith.subi %iota3A, %masked_cummax3A_114 : vector<16xi32>
          %add3A_116 = arith.constant 1 : i32
          %add3A_117 = vector.broadcast %add3A_116 : i32 to vector<16xi32>
          %add3A_118 = arith.addi %sub3A_115, %add3A_117 : vector<16xi32>
          %convert_element_type3A_119 = arith.sitofp %add3A_118 : vector<16xi32> to vector<16xf32>
          %gather3A_120 = tpu.vector_load_idx %arg8[%sort3A_95] : memref<100016xf32, #tpu.memory_space<vmem>>[vector<16xi32>], vector<16xf32>,
          %add3A_121 = arith.addf %gather3A_120, %convert_element_type3A_119 : vector<16xf32>
          tpu.vector_store_idx %arg8[%sort3A_95], %add3A_121 masked %ne3A_104 : memref<100016xf32, #tpu.memory_space<vmem>>[vector<16xi32>], vector<16xf32>, vector<16xi1>
          %get3A_122 = arith.index_cast %add3A_66 : i32 to index
          %get3A_123 = arith.constant 32 : index
          %get3A_124 = tpu.vector_load %arg14[%get3A_122, %get3A_123] {strides = array<i32>} : memref<32x128xi32, #tpu.memory_space<vmem>>, vector<16xi32>,
          %sort3A_125 = arith.constant dense<true> : vector<16xi1>
          %sort3A_126, %sort3A_127, %sort3A_128 = tpu.sort %get3A_124, %get3A_124 masked %sort3A_125 : (vector<16xi32>, vector<16xi32>, vector<16xi1>) -> (vector<16xi1>, vector<16xi32>, vector<16xi32>)
          %swap3A_129 = arith.constant 16 : index
          %swap3A_130 = tpu.vector_load %arg9[%swap3A_129] {strides = array<i32>} : memref<48xi32, #tpu.memory_space<vmem>>, vector<16xi32>,
          tpu.vector_store %arg9[%swap3A_129], %sort3A_127 {strides = array<i32>} : memref<48xi32, #tpu.memory_space<vmem>>, vector<16xi32>,
          %get3A_131 = arith.constant 15 : index
          %get3A_132 = tpu.vector_load %arg9[%get3A_131] {strides = array<i32>} : memref<48xi32, #tpu.memory_space<vmem>>, vector<16xi32>,
          %get3A_133 = arith.constant 17 : index
          %get3A_134 = tpu.vector_load %arg9[%get3A_133] {strides = array<i32>} : memref<48xi32, #tpu.memory_space<vmem>>, vector<16xi32>,
          %ne3A_135 = arith.cmpi ne, %sort3A_127, %get3A_132 : vector<16xi32>
          %ne3A_136 = arith.cmpi ne, %sort3A_127, %get3A_134 : vector<16xi32>
          %jit3A_137 = arith.constant 0 : i32
          %broadcast_in_dim3A_138 = vector.broadcast %jit3A_137 : i32 to vector<16xi32>
          %select_n3A_139 = arith.select %ne3A_135, %iota3A, %broadcast_in_dim3A_138 : vector<16xi1>, vector<16xi32>
          %broadcast_in_dim3A_140 = arith.constant true
          %broadcast_in_dim3A_141 = vector.broadcast %broadcast_in_dim3A_140 : i1 to vector<16xi1>
          %masked_cummax3A_142 = arith.constant -2147483648 : i32
          %masked_cummax3A_143 = vector.broadcast %masked_cummax3A_142 : i32 to vector<16xi32>
          %masked_cummax3A_144 = arith.xori %select_n3A_139, %masked_cummax3A_143 : vector<16xi32>
          %masked_cummax3A_145 = tpu.scan <max>, %masked_cummax3A_144 masked %broadcast_in_dim3A_141 : vector<16xi32>, vector<16xi1> -> vector<16xi32>
          %masked_cummax3A_146 = arith.xori %masked_cummax3A_145, %masked_cummax3A_143 : vector<16xi32>
          %sub3A_147 = arith.subi %iota3A, %masked_cummax3A_146 : vector<16xi32>
          %add3A_148 = arith.constant 1 : i32
          %add3A_149 = vector.broadcast %add3A_148 : i32 to vector<16xi32>
          %add3A_150 = arith.addi %sub3A_147, %add3A_149 : vector<16xi32>
          %convert_element_type3A_151 = arith.sitofp %add3A_150 : vector<16xi32> to vector<16xf32>
          %gather3A_152 = tpu.vector_load_idx %arg8[%sort3A_127] : memref<100016xf32, #tpu.memory_space<vmem>>[vector<16xi32>], vector<16xf32>,
          %add3A_153 = arith.addf %gather3A_152, %convert_element_type3A_151 : vector<16xf32>
          tpu.vector_store_idx %arg8[%sort3A_127], %add3A_153 masked %ne3A_136 : memref<100016xf32, #tpu.memory_space<vmem>>[vector<16xi32>], vector<16xf32>, vector<16xi1>
          %get3A_154 = arith.index_cast %add3A_66 : i32 to index
          %get3A_155 = arith.constant 34 : index
          %get3A_156 = tpu.vector_load %arg14[%get3A_154, %get3A_155] {strides = array<i32>} : memref<32x128xi32, #tpu.memory_space<vmem>>, vector<16xi32>,
          %ge3A = arith.constant 14 : i32
          %ge3A_157 = vector.broadcast %ge3A : i32 to vector<16xi32>
          %ge3A_158 = arith.cmpi sge, %iota3A, %ge3A_157 : vector<16xi32>
          %jit3A_159 = arith.constant 100000 : i32
          %broadcast_in_dim3A_160 = vector.broadcast %jit3A_159 : i32 to vector<16xi32>
          %select_n3A_161 = arith.select %ge3A_158, %get3A_156, %broadcast_in_dim3A_160 : vector<16xi1>, vector<16xi32>
          %sort3A_162 = arith.constant dense<true> : vector<16xi1>
          %sort3A_163, %sort3A_164, %sort3A_165 = tpu.sort %select_n3A_161, %select_n3A_161 masked %sort3A_162 : (vector<16xi32>, vector<16xi32>, vector<16xi1>) -> (vector<16xi1>, vector<16xi32>, vector<16xi32>)
          %swap3A_166 = arith.constant 16 : index
          %swap3A_167 = tpu.vector_load %arg9[%swap3A_166] {strides = array<i32>} : memref<48xi32, #tpu.memory_space<vmem>>, vector<16xi32>,
          tpu.vector_store %arg9[%swap3A_166], %sort3A_164 {strides = array<i32>} : memref<48xi32, #tpu.memory_space<vmem>>, vector<16xi32>,
          %get3A_168 = arith.constant 15 : index
          %get3A_169 = tpu.vector_load %arg9[%get3A_168] {strides = array<i32>} : memref<48xi32, #tpu.memory_space<vmem>>, vector<16xi32>,
          %get3A_170 = arith.constant 17 : index
          %get3A_171 = tpu.vector_load %arg9[%get3A_170] {strides = array<i32>} : memref<48xi32, #tpu.memory_space<vmem>>, vector<16xi32>,
          %ne3A_172 = arith.cmpi ne, %sort3A_164, %get3A_169 : vector<16xi32>
          %ne3A_173 = arith.cmpi ne, %sort3A_164, %get3A_171 : vector<16xi32>
          %jit3A_174 = arith.constant 0 : i32
          %broadcast_in_dim3A_175 = vector.broadcast %jit3A_174 : i32 to vector<16xi32>
          %select_n3A_176 = arith.select %ne3A_172, %iota3A, %broadcast_in_dim3A_175 : vector<16xi1>, vector<16xi32>
          %broadcast_in_dim3A_177 = arith.constant true
          %broadcast_in_dim3A_178 = vector.broadcast %broadcast_in_dim3A_177 : i1 to vector<16xi1>
          %masked_cummax3A_179 = arith.constant -2147483648 : i32
          %masked_cummax3A_180 = vector.broadcast %masked_cummax3A_179 : i32 to vector<16xi32>
          %masked_cummax3A_181 = arith.xori %select_n3A_176, %masked_cummax3A_180 : vector<16xi32>
          %masked_cummax3A_182 = tpu.scan <max>, %masked_cummax3A_181 masked %broadcast_in_dim3A_178 : vector<16xi32>, vector<16xi1> -> vector<16xi32>
          %masked_cummax3A_183 = arith.xori %masked_cummax3A_182, %masked_cummax3A_180 : vector<16xi32>
          %sub3A_184 = arith.subi %iota3A, %masked_cummax3A_183 : vector<16xi32>
          %add3A_185 = arith.constant 1 : i32
          %add3A_186 = vector.broadcast %add3A_185 : i32 to vector<16xi32>
          %add3A_187 = arith.addi %sub3A_184, %add3A_186 : vector<16xi32>
          %convert_element_type3A_188 = arith.sitofp %add3A_187 : vector<16xi32> to vector<16xf32>
          %gather3A_189 = tpu.vector_load_idx %arg8[%sort3A_164] : memref<100016xf32, #tpu.memory_space<vmem>>[vector<16xi32>], vector<16xf32>,
          %add3A_190 = arith.addf %gather3A_189, %convert_element_type3A_188 : vector<16xf32>
          tpu.vector_store_idx %arg8[%sort3A_164], %add3A_190 masked %ne3A_173 : memref<100016xf32, #tpu.memory_space<vmem>>[vector<16xi32>], vector<16xf32>, vector<16xi1>
          %get3A_191 = arith.index_cast %add3A_66 : i32 to index
          %get3A_192 = arith.constant 0 : index
          %get3A_193 = tpu.vector_load %arg12[%get3A_191, %get3A_192] {strides = array<i32>} : memref<32x256xi32, #tpu.memory_space<vmem>>, vector<16xi32>,
          %get3A_194 = arith.index_cast %add3A_66 : i32 to index
          %get3A_195 = arith.constant 0 : index
          %get3A_196 = tpu.vector_load %arg13[%get3A_194, %get3A_195] {strides = array<i32>} : memref<32x256xf32, #tpu.memory_space<vmem>>, vector<16xf32>,
          %gather3A_197 = tpu.vector_load_idx %arg8[%get3A_193] : memref<100016xf32, #tpu.memory_space<vmem>>[vector<16xi32>], vector<16xf32>,
          %mul3A_198 = arith.mulf %get3A_196, %gather3A_197 : vector<16xf32>
          %add3A_199 = arith.addf %broadcast_in_dim3A_3, %mul3A_198 : vector<16xf32>
          %get3A_200 = arith.index_cast %add3A_66 : i32 to index
          %get3A_201 = arith.constant 16 : index
          %get3A_202 = tpu.vector_load %arg12[%get3A_200, %get3A_201] {strides = array<i32>} : memref<32x256xi32, #tpu.memory_space<vmem>>, vector<16xi32>,
          %get3A_203 = arith.index_cast %add3A_66 : i32 to index
          %get3A_204 = arith.constant 16 : index
          %get3A_205 = tpu.vector_load %arg13[%get3A_203, %get3A_204] {strides = array<i32>} : memref<32x256xf32, #tpu.memory_space<vmem>>, vector<16xf32>,
          %gather3A_206 = tpu.vector_load_idx %arg8[%get3A_202] : memref<100016xf32, #tpu.memory_space<vmem>>[vector<16xi32>], vector<16xf32>,
          %mul3A_207 = arith.mulf %get3A_205, %gather3A_206 : vector<16xf32>
          %add3A_208 = arith.addf %add3A_199, %mul3A_207 : vector<16xf32>
          %get3A_209 = arith.index_cast %add3A_66 : i32 to index
          %get3A_210 = arith.constant 32 : index
          %get3A_211 = tpu.vector_load %arg12[%get3A_209, %get3A_210] {strides = array<i32>} : memref<32x256xi32, #tpu.memory_space<vmem>>, vector<16xi32>,
          %get3A_212 = arith.index_cast %add3A_66 : i32 to index
          %get3A_213 = arith.constant 32 : index
          %get3A_214 = tpu.vector_load %arg13[%get3A_212, %get3A_213] {strides = array<i32>} : memref<32x256xf32, #tpu.memory_space<vmem>>, vector<16xf32>,
          %gather3A_215 = tpu.vector_load_idx %arg8[%get3A_211] : memref<100016xf32, #tpu.memory_space<vmem>>[vector<16xi32>], vector<16xf32>,
          %mul3A_216 = arith.mulf %get3A_214, %gather3A_215 : vector<16xf32>
          %add3A_217 = arith.addf %add3A_208, %mul3A_216 : vector<16xf32>
          %get3A_218 = arith.index_cast %add3A_66 : i32 to index
          %get3A_219 = arith.constant 48 : index
          %get3A_220 = tpu.vector_load %arg12[%get3A_218, %get3A_219] {strides = array<i32>} : memref<32x256xi32, #tpu.memory_space<vmem>>, vector<16xi32>,
          %get3A_221 = arith.index_cast %add3A_66 : i32 to index
          %get3A_222 = arith.constant 48 : index
          %get3A_223 = tpu.vector_load %arg13[%get3A_221, %get3A_222] {strides = array<i32>} : memref<32x256xf32, #tpu.memory_space<vmem>>, vector<16xf32>,
          %gather3A_224 = tpu.vector_load_idx %arg8[%get3A_220] : memref<100016xf32, #tpu.memory_space<vmem>>[vector<16xi32>], vector<16xf32>,
          %mul3A_225 = arith.mulf %get3A_223, %gather3A_224 : vector<16xf32>
          %add3A_226 = arith.addf %add3A_217, %mul3A_225 : vector<16xf32>
          %get3A_227 = arith.index_cast %add3A_66 : i32 to index
          %get3A_228 = arith.constant 64 : index
          %get3A_229 = tpu.vector_load %arg12[%get3A_227, %get3A_228] {strides = array<i32>} : memref<32x256xi32, #tpu.memory_space<vmem>>, vector<16xi32>,
          %get3A_230 = arith.index_cast %add3A_66 : i32 to index
          %get3A_231 = arith.constant 64 : index
          %get3A_232 = tpu.vector_load %arg13[%get3A_230, %get3A_231] {strides = array<i32>} : memref<32x256xf32, #tpu.memory_space<vmem>>, vector<16xf32>,
          %gather3A_233 = tpu.vector_load_idx %arg8[%get3A_229] : memref<100016xf32, #tpu.memory_space<vmem>>[vector<16xi32>], vector<16xf32>,
          %mul3A_234 = arith.mulf %get3A_232, %gather3A_233 : vector<16xf32>
          %add3A_235 = arith.addf %add3A_226, %mul3A_234 : vector<16xf32>
          %get3A_236 = arith.index_cast %add3A_66 : i32 to index
          %get3A_237 = arith.constant 80 : index
          %get3A_238 = tpu.vector_load %arg12[%get3A_236, %get3A_237] {strides = array<i32>} : memref<32x256xi32, #tpu.memory_space<vmem>>, vector<16xi32>,
          %get3A_239 = arith.index_cast %add3A_66 : i32 to index
          %get3A_240 = arith.constant 80 : index
          %get3A_241 = tpu.vector_load %arg13[%get3A_239, %get3A_240] {strides = array<i32>} : memref<32x256xf32, #tpu.memory_space<vmem>>, vector<16xf32>,
          %gather3A_242 = tpu.vector_load_idx %arg8[%get3A_238] : memref<100016xf32, #tpu.memory_space<vmem>>[vector<16xi32>], vector<16xf32>,
          %mul3A_243 = arith.mulf %get3A_241, %gather3A_242 : vector<16xf32>
          %add3A_244 = arith.addf %add3A_235, %mul3A_243 : vector<16xf32>
          %get3A_245 = arith.index_cast %add3A_66 : i32 to index
          %get3A_246 = arith.constant 96 : index
          %get3A_247 = tpu.vector_load %arg12[%get3A_245, %get3A_246] {strides = array<i32>} : memref<32x256xi32, #tpu.memory_space<vmem>>, vector<16xi32>,
          %get3A_248 = arith.index_cast %add3A_66 : i32 to index
          %get3A_249 = arith.constant 96 : index
          %get3A_250 = tpu.vector_load %arg13[%get3A_248, %get3A_249] {strides = array<i32>} : memref<32x256xf32, #tpu.memory_space<vmem>>, vector<16xf32>,
          %gather3A_251 = tpu.vector_load_idx %arg8[%get3A_247] : memref<100016xf32, #tpu.memory_space<vmem>>[vector<16xi32>], vector<16xf32>,
          %mul3A_252 = arith.mulf %get3A_250, %gather3A_251 : vector<16xf32>
          %add3A_253 = arith.addf %add3A_244, %mul3A_252 : vector<16xf32>
          %get3A_254 = arith.index_cast %add3A_66 : i32 to index
          %get3A_255 = arith.constant 112 : index
          %get3A_256 = tpu.vector_load %arg12[%get3A_254, %get3A_255] {strides = array<i32>} : memref<32x256xi32, #tpu.memory_space<vmem>>, vector<16xi32>,
          %get3A_257 = arith.index_cast %add3A_66 : i32 to index
          %get3A_258 = arith.constant 112 : index
          %get3A_259 = tpu.vector_load %arg13[%get3A_257, %get3A_258] {strides = array<i32>} : memref<32x256xf32, #tpu.memory_space<vmem>>, vector<16xf32>,
          %gather3A_260 = tpu.vector_load_idx %arg8[%get3A_256] : memref<100016xf32, #tpu.memory_space<vmem>>[vector<16xi32>], vector<16xf32>,
          %mul3A_261 = arith.mulf %get3A_259, %gather3A_260 : vector<16xf32>
          %add3A_262 = arith.addf %add3A_253, %mul3A_261 : vector<16xf32>
          %get3A_263 = arith.index_cast %add3A_66 : i32 to index
          %get3A_264 = arith.constant 128 : index
          %get3A_265 = tpu.vector_load %arg12[%get3A_263, %get3A_264] {strides = array<i32>} : memref<32x256xi32, #tpu.memory_space<vmem>>, vector<16xi32>,
          %get3A_266 = arith.index_cast %add3A_66 : i32 to index
          %get3A_267 = arith.constant 128 : index
          %get3A_268 = tpu.vector_load %arg13[%get3A_266, %get3A_267] {strides = array<i32>} : memref<32x256xf32, #tpu.memory_space<vmem>>, vector<16xf32>,
          %gather3A_269 = tpu.vector_load_idx %arg8[%get3A_265] : memref<100016xf32, #tpu.memory_space<vmem>>[vector<16xi32>], vector<16xf32>,
          %mul3A_270 = arith.mulf %get3A_268, %gather3A_269 : vector<16xf32>
          %add3A_271 = arith.addf %add3A_262, %mul3A_270 : vector<16xf32>
          %get3A_272 = arith.index_cast %add3A_66 : i32 to index
          %get3A_273 = arith.constant 144 : index
          %get3A_274 = tpu.vector_load %arg12[%get3A_272, %get3A_273] {strides = array<i32>} : memref<32x256xi32, #tpu.memory_space<vmem>>, vector<16xi32>,
          %get3A_275 = arith.index_cast %add3A_66 : i32 to index
          %get3A_276 = arith.constant 144 : index
          %get3A_277 = tpu.vector_load %arg13[%get3A_275, %get3A_276] {strides = array<i32>} : memref<32x256xf32, #tpu.memory_space<vmem>>, vector<16xf32>,
          %gather3A_278 = tpu.vector_load_idx %arg8[%get3A_274] : memref<100016xf32, #tpu.memory_space<vmem>>[vector<16xi32>], vector<16xf32>,
          %mul3A_279 = arith.mulf %get3A_277, %gather3A_278 : vector<16xf32>
          %add3A_280 = arith.addf %add3A_271, %mul3A_279 : vector<16xf32>
          %get3A_281 = arith.index_cast %add3A_66 : i32 to index
          %get3A_282 = arith.constant 160 : index
          %get3A_283 = tpu.vector_load %arg12[%get3A_281, %get3A_282] {strides = array<i32>} : memref<32x256xi32, #tpu.memory_space<vmem>>, vector<16xi32>,
          %get3A_284 = arith.index_cast %add3A_66 : i32 to index
          %get3A_285 = arith.constant 160 : index
          %get3A_286 = tpu.vector_load %arg13[%get3A_284, %get3A_285] {strides = array<i32>} : memref<32x256xf32, #tpu.memory_space<vmem>>, vector<16xf32>,
          %gather3A_287 = tpu.vector_load_idx %arg8[%get3A_283] : memref<100016xf32, #tpu.memory_space<vmem>>[vector<16xi32>], vector<16xf32>,
          %mul3A_288 = arith.mulf %get3A_286, %gather3A_287 : vector<16xf32>
          %add3A_289 = arith.addf %add3A_280, %mul3A_288 : vector<16xf32>
          %get3A_290 = arith.index_cast %add3A_66 : i32 to index
          %get3A_291 = arith.constant 176 : index
          %get3A_292 = tpu.vector_load %arg12[%get3A_290, %get3A_291] {strides = array<i32>} : memref<32x256xi32, #tpu.memory_space<vmem>>, vector<16xi32>,
          %get3A_293 = arith.index_cast %add3A_66 : i32 to index
          %get3A_294 = arith.constant 176 : index
          %get3A_295 = tpu.vector_load %arg13[%get3A_293, %get3A_294] {strides = array<i32>} : memref<32x256xf32, #tpu.memory_space<vmem>>, vector<16xf32>,
          %gather3A_296 = tpu.vector_load_idx %arg8[%get3A_292] : memref<100016xf32, #tpu.memory_space<vmem>>[vector<16xi32>], vector<16xf32>,
          %mul3A_297 = arith.mulf %get3A_295, %gather3A_296 : vector<16xf32>
          %add3A_298 = arith.addf %add3A_289, %mul3A_297 : vector<16xf32>
          %get3A_299 = arith.index_cast %add3A_66 : i32 to index
          %get3A_300 = arith.constant 184 : index
          %get3A_301 = tpu.vector_load %arg12[%get3A_299, %get3A_300] {strides = array<i32>} : memref<32x256xi32, #tpu.memory_space<vmem>>, vector<16xi32>,
          %get3A_302 = arith.index_cast %add3A_66 : i32 to index
          %get3A_303 = arith.constant 184 : index
          %get3A_304 = tpu.vector_load %arg13[%get3A_302, %get3A_303] {strides = array<i32>} : memref<32x256xf32, #tpu.memory_space<vmem>>, vector<16xf32>,
          %ge3A_305 = arith.constant 8 : i32
          %ge3A_306 = vector.broadcast %ge3A_305 : i32 to vector<16xi32>
          %ge3A_307 = arith.cmpi sge, %iota3A, %ge3A_306 : vector<16xi32>
          %select_n3A_308 = arith.select %ge3A_307, %get3A_304, %broadcast_in_dim3A_3 : vector<16xi1>, vector<16xf32>
          %gather3A_309 = tpu.vector_load_idx %arg8[%get3A_301] : memref<100016xf32, #tpu.memory_space<vmem>>[vector<16xi32>], vector<16xf32>,
          %mul3A_310 = arith.mulf %select_n3A_308, %gather3A_309 : vector<16xf32>
          %add3A_311 = arith.addf %add3A_298, %mul3A_310 : vector<16xf32>
          %get3A_312 = arith.index_cast %add3A_66 : i32 to index
          %get3A_313 = arith.constant 0 : index
          %get3A_314 = tpu.vector_load %arg14[%get3A_312, %get3A_313] {strides = array<i32>} : memref<32x128xi32, #tpu.memory_space<vmem>>, vector<16xi32>,
          tpu.vector_store_idx %arg8[%get3A_314], %broadcast_in_dim3A_3 : memref<100016xf32, #tpu.memory_space<vmem>>[vector<16xi32>], vector<16xf32>,
          %get3A_315 = arith.index_cast %add3A_66 : i32 to index
          %get3A_316 = arith.constant 16 : index
          %get3A_317 = tpu.vector_load %arg14[%get3A_315, %get3A_316] {strides = array<i32>} : memref<32x128xi32, #tpu.memory_space<vmem>>, vector<16xi32>,
          tpu.vector_store_idx %arg8[%get3A_317], %broadcast_in_dim3A_3 : memref<100016xf32, #tpu.memory_space<vmem>>[vector<16xi32>], vector<16xf32>,
          %get3A_318 = arith.index_cast %add3A_66 : i32 to index
          %get3A_319 = arith.constant 32 : index
          %get3A_320 = tpu.vector_load %arg14[%get3A_318, %get3A_319] {strides = array<i32>} : memref<32x128xi32, #tpu.memory_space<vmem>>, vector<16xi32>,
          tpu.vector_store_idx %arg8[%get3A_320], %broadcast_in_dim3A_3 : memref<100016xf32, #tpu.memory_space<vmem>>[vector<16xi32>], vector<16xf32>,
          %get3A_321 = arith.index_cast %add3A_66 : i32 to index
          %get3A_322 = arith.constant 34 : index
          %get3A_323 = tpu.vector_load %arg14[%get3A_321, %get3A_322] {strides = array<i32>} : memref<32x128xi32, #tpu.memory_space<vmem>>, vector<16xi32>,
          %ge3A_324 = arith.constant 14 : i32
          %ge3A_325 = vector.broadcast %ge3A_324 : i32 to vector<16xi32>
          %ge3A_326 = arith.cmpi sge, %iota3A, %ge3A_325 : vector<16xi32>
          %jit3A_327 = arith.constant 100000 : i32
          %broadcast_in_dim3A_328 = vector.broadcast %jit3A_327 : i32 to vector<16xi32>
          %select_n3A_329 = arith.select %ge3A_326, %get3A_323, %broadcast_in_dim3A_328 : vector<16xi1>, vector<16xi32>
          tpu.vector_store_idx %arg8[%select_n3A_329], %broadcast_in_dim3A_3 : memref<100016xf32, #tpu.memory_space<vmem>>[vector<16xi32>], vector<16xf32>,
          %eq3A = vector.broadcast %scan3A_62 : i32 to vector<16xi32>
          %eq3A_330 = arith.cmpi eq, %iota3A, %eq3A : vector<16xi32>
          %reduce_sum3A = arith.constant true
          %reduce_sum3A_331 = vector.broadcast %reduce_sum3A : i1 to vector<16xi1>
          %reduce_sum3A_332 = tpu.scan <sum>, %add3A_311 masked %reduce_sum3A_331 : vector<16xf32>, vector<16xi1> -> vector<16xf32>
          %reduce_sum3A_333 = vector.extract %reduce_sum3A_332[15] : f32 from vector<16xf32>
          %broadcast_in_dim3A_334 = vector.broadcast %reduce_sum3A_333 : f32 to vector<16xf32>
          %select_n3A_335 = arith.select %eq3A_330, %broadcast_in_dim3A_334, %scan3A_63 : vector<16xi1>, vector<16xf32>
          scf.yield %select_n3A_335 : vector<16xf32>
        }
        %scan3A_54 = arith.constant 16 : i32
        %mul3A_55 = arith.constant 32 : i32
        %mul3A_56 = arith.muli %scan3A_22, %mul3A_55 : i32
        %mul3A_57 = arith.constant 16 : i32
        %mul3A_58 = arith.muli %scan3A_48, %mul3A_57 : i32
        %add3A_59 = arith.addi %mul3A_56, %mul3A_58 : i32
        %swap3A_60 = arith.index_cast %add3A_59 : i32 to index
        %swap3A_61 = tpu.vector_load %arg15[%swap3A_60] {strides = array<i32>} : memref<128xf32, #tpu.memory_space<vmem>>, vector<16xf32>,
        tpu.vector_store %arg15[%swap3A_60], %scan3A_53 {strides = array<i32>} : memref<128xf32, #tpu.memory_space<vmem>>, vector<16xf32>,
      }
      %scan3A_47 = arith.constant 2 : i32
    }
    %scan3A_21 = arith.constant 4 : i32
    "tpu.region"() ({
      %run_scoped3A = tpu.sem_alloc : memref<!tpu.dma_semaphore, #tpu.memory_space<semaphore_mem>>
      %dma_start3A = tpu.memref_slice %arg7[%mul3A_2] : memref<4096xf32, #tpu.memory_space<hbm>> -> memref<128xf32, #tpu.memory_space<hbm>>
      %dma_start3A_22 = tpu.memref_slice %arg7[%mul3A_2] : memref<4096xf32, #tpu.memory_space<hbm>> -> memref<128xf32, #tpu.memory_space<hbm>>
      tpu.enqueue_dma source(%arg15 : memref<128xf32, #tpu.memory_space<vmem>>) target(%dma_start3A_22 : memref<128xf32, #tpu.memory_space<hbm>>) target_semaphore(%run_scoped3A : memref<!tpu.dma_semaphore, #tpu.memory_space<semaphore_mem>>)
      %dma_wait3A = tpu.memref_slice %arg7[%mul3A_2] : memref<4096xf32, #tpu.memory_space<hbm>> -> memref<128xf32, #tpu.memory_space<hbm>>
      %dma_wait3A_23 = tpu.memref_slice %arg7[%mul3A_2] : memref<4096xf32, #tpu.memory_space<hbm>> -> memref<128xf32, #tpu.memory_space<hbm>>
      tpu.wait_dma2 semaphore(%run_scoped3A : memref<!tpu.dma_semaphore, #tpu.memory_space<semaphore_mem>>) src(%arg15 : memref<128xf32, #tpu.memory_space<vmem>>) dst(%dma_wait3A_23 : memref<128xf32, #tpu.memory_space<hbm>>)
      tpu.yield
    }) : () -> ()
    return
  }
}

module attributes {stable_mosaic.version = 14 : i64} {
  func.func @body(%arg0: i32, %arg1: memref<1000x200xi32, #tpu.memory_space<vmem>>, %arg2: memref<1000x256xi32, #tpu.memory_space<vmem>>) attributes {dimension_semantics = [#tpu.dimension_semantics<arbitrary>], iteration_bounds = array<i64: 100>, scalar_prefetch = 0 : i64, scratch_operands = 0 : i64, tpu.core_type = #tpu.core_type<tc>, window_params = [{transform_indices = @transform_0, window_bounds = array<i64: 1000, 200>}, {transform_indices = @transform_1, window_bounds = array<i64: 1000, 256>}]} {
    %get3A = arith.constant 0 : index
    %get3A_0 = arith.constant 0 : index
    %get3A_1 = vector.load %arg1[%get3A, %get3A_0] : memref<1000x200xi32, #tpu.memory_space<vmem>>, vector<1000x200xi32>
    %swap3A = arith.constant 0 : index
    %swap3A_2 = arith.constant 0 : index
    %swap3A_3 = vector.load %arg2[%swap3A, %swap3A_2] : memref<1000x256xi32, #tpu.memory_space<vmem>>, vector<1000x200xi32>
    tpu.vector_store %arg2[%swap3A, %swap3A_2], %get3A_1 {strides = array<i32>} : memref<1000x256xi32, #tpu.memory_space<vmem>>, vector<1000x200xi32>,
    %broadcast_in_dim3A = arith.constant 0 : i32
    %broadcast_in_dim3A_4 = vector.broadcast %broadcast_in_dim3A : i32 to vector<1000x56xi32>
    %swap3A_5 = arith.constant 0 : index
    %swap3A_6 = arith.constant 200 : index
    %swap3A_7 = vector.load %arg2[%swap3A_5, %swap3A_6] : memref<1000x256xi32, #tpu.memory_space<vmem>>, vector<1000x56xi32>
    tpu.vector_store %arg2[%swap3A_5, %swap3A_6], %broadcast_in_dim3A_4 {strides = array<i32>} : memref<1000x256xi32, #tpu.memory_space<vmem>>, vector<1000x56xi32>,
    return
  }
  func.func @transform_0(%arg0: i32) -> (i32, i32) {
    %c0_i32 = arith.constant 0 : i32
    %c0_i32_0 = arith.constant 0 : i32
    return %arg0, %c0_i32 : i32, i32
  }
  func.func @transform_1(%arg0: i32) -> (i32, i32) {
    %c0_i32 = arith.constant 0 : i32
    %c0_i32_0 = arith.constant 0 : i32
    return %arg0, %c0_i32 : i32, i32
  }
}

module attributes {stable_mosaic.version = 14 : i64} {
  func.func @body(%arg0: i32, %arg1: memref<1000x200xf32, #tpu.memory_space<vmem>>, %arg2: memref<1000x256xf32, #tpu.memory_space<vmem>>) attributes {dimension_semantics = [#tpu.dimension_semantics<arbitrary>], iteration_bounds = array<i64: 100>, scalar_prefetch = 0 : i64, scratch_operands = 0 : i64, tpu.core_type = #tpu.core_type<tc>, window_params = [{transform_indices = @transform_0, window_bounds = array<i64: 1000, 200>}, {transform_indices = @transform_1, window_bounds = array<i64: 1000, 256>}]} {
    %get3A = arith.constant 0 : index
    %get3A_0 = arith.constant 0 : index
    %get3A_1 = vector.load %arg1[%get3A, %get3A_0] : memref<1000x200xf32, #tpu.memory_space<vmem>>, vector<1000x200xf32>
    %swap3A = arith.constant 0 : index
    %swap3A_2 = arith.constant 0 : index
    %swap3A_3 = vector.load %arg2[%swap3A, %swap3A_2] : memref<1000x256xf32, #tpu.memory_space<vmem>>, vector<1000x200xf32>
    tpu.vector_store %arg2[%swap3A, %swap3A_2], %get3A_1 {strides = array<i32>} : memref<1000x256xf32, #tpu.memory_space<vmem>>, vector<1000x200xf32>,
    %broadcast_in_dim3A = arith.constant 0.000000e+00 : f32
    %broadcast_in_dim3A_4 = vector.broadcast %broadcast_in_dim3A : f32 to vector<1000x56xf32>
    %swap3A_5 = arith.constant 0 : index
    %swap3A_6 = arith.constant 200 : index
    %swap3A_7 = vector.load %arg2[%swap3A_5, %swap3A_6] : memref<1000x256xf32, #tpu.memory_space<vmem>>, vector<1000x56xf32>
    tpu.vector_store %arg2[%swap3A_5, %swap3A_6], %broadcast_in_dim3A_4 {strides = array<i32>} : memref<1000x256xf32, #tpu.memory_space<vmem>>, vector<1000x56xf32>,
    return
  }
  func.func @transform_0(%arg0: i32) -> (i32, i32) {
    %c0_i32 = arith.constant 0 : i32
    %c0_i32_0 = arith.constant 0 : i32
    return %arg0, %c0_i32 : i32, i32
  }
  func.func @transform_1(%arg0: i32) -> (i32, i32) {
    %c0_i32 = arith.constant 0 : i32
    %c0_i32_0 = arith.constant 0 : i32
    return %arg0, %c0_i32 : i32, i32
  }
}

module attributes {stable_mosaic.version = 14 : i64} {
  func.func @body(%arg0: i32, %arg1: memref<1000x50xi32, #tpu.memory_space<vmem>>, %arg2: memref<1000x128xi32, #tpu.memory_space<vmem>>) attributes {dimension_semantics = [#tpu.dimension_semantics<arbitrary>], iteration_bounds = array<i64: 100>, scalar_prefetch = 0 : i64, scratch_operands = 0 : i64, tpu.core_type = #tpu.core_type<tc>, window_params = [{transform_indices = @transform_0, window_bounds = array<i64: 1000, 50>}, {transform_indices = @transform_1, window_bounds = array<i64: 1000, 128>}]} {
    %get3A = arith.constant 0 : index
    %get3A_0 = arith.constant 0 : index
    %get3A_1 = vector.load %arg1[%get3A, %get3A_0] : memref<1000x50xi32, #tpu.memory_space<vmem>>, vector<1000x50xi32>
    %swap3A = arith.constant 0 : index
    %swap3A_2 = arith.constant 0 : index
    %swap3A_3 = vector.load %arg2[%swap3A, %swap3A_2] : memref<1000x128xi32, #tpu.memory_space<vmem>>, vector<1000x50xi32>
    tpu.vector_store %arg2[%swap3A, %swap3A_2], %get3A_1 {strides = array<i32>} : memref<1000x128xi32, #tpu.memory_space<vmem>>, vector<1000x50xi32>,
    %broadcast_in_dim3A = arith.constant 0 : i32
    %broadcast_in_dim3A_4 = vector.broadcast %broadcast_in_dim3A : i32 to vector<1000x78xi32>
    %swap3A_5 = arith.constant 0 : index
    %swap3A_6 = arith.constant 50 : index
    %swap3A_7 = vector.load %arg2[%swap3A_5, %swap3A_6] : memref<1000x128xi32, #tpu.memory_space<vmem>>, vector<1000x78xi32>
    tpu.vector_store %arg2[%swap3A_5, %swap3A_6], %broadcast_in_dim3A_4 {strides = array<i32>} : memref<1000x128xi32, #tpu.memory_space<vmem>>, vector<1000x78xi32>,
    return
  }
  func.func @transform_0(%arg0: i32) -> (i32, i32) {
    %c0_i32 = arith.constant 0 : i32
    %c0_i32_0 = arith.constant 0 : i32
    return %arg0, %c0_i32 : i32, i32
  }
  func.func @transform_1(%arg0: i32) -> (i32, i32) {
    %c0_i32 = arith.constant 0 : i32
    %c0_i32_0 = arith.constant 0 : i32
    return %arg0, %c0_i32 : i32, i32
  }
}

</mosaic_0001>

<sc_bundles>
// kernel: kernel.6.cloned.1.call-start
scs
__scs_entry_jumppad:
0x0: {  	(pc) =	sbr.rel $0x88, $3  }
0x1: {  	(tag) =	ssettag $0x0;
	lr =	simm.s32 $0x1  }
0x2: {  	[smem:$0x3F9C] =	sst lr;
	_ =	strace $0xD0000000  }
0x3: {  	_ = 	snop  }
0x4: {  	_ = 	snop  }
0x5: {  	_ = 	snop  }
0x6: {  	_ = 	snop  }
0x7: {  	_ = 	snop  }
__scs_overlays_trampoline_lowered:
0x8: {  	[smem:$0x3FAB] =	sst s0  }
0x9: {  	[smem:$0x3FAC] =	sst s1  }
0xa: {  	[smem:$0x3FAD] =	sst s2  }
0xb: {  	[smem:$0x3FAE] =	sst s3  }
0xc: {  	[smem:$0x3FAF] =	sst s4  }
0xd: {  	[smem:$0x3FB0] =	sst s5  }
0xe: {  	[smem:$0x3FB1] =	sst s6  }
0xf: {  	[smem:$0x3FB2] =	sst s7  }
0x10: {  	[smem:$0x3FB3] =	sst s8  }
0x11: {  	[smem:$0x3FB4] =	sst s9;
	s0 =	simm.s32 @!p0 $0x0  }
0x12: {  	s1 =	sld [smem:$0x3F9A];
	s0 =	simm.s32 @p0 $0x1  }
0x13: {  	[smem:$0x3FB5] =	sst s0;
	s0 =	simm.s32 @!p1 $0x0  }
0x14: {  	s2 =	sld [smem:$0x3F99];
	s0 =	simm.s32 @p1 $0x1  }
0x15: {  	[smem:$0x3FB6] =	sst s0;
	s0 =	simm.s32 @!p2 $0x0  }
0x16: {  	s3 =	sld [smem:$0x3FDB];
	s0 =	simm.s32 @p2 $0x1  }
0x17: {  	s4 =	simm.s32 $0x1BF5;
	[smem:$0x3FB8] =	sst s0  }
0x18: {  	s0 =	sld [smem:$0x3F9B];
	_ =	swait.ge [sflag:s4], $0x0  }
0x19: {  	s7 =	sld [smem:$0x3F9C]  }
0x1a: {  	s8 =	sadd.s32 $0xFFFFE003, lr  }
0x1b: {  	s9 =	sadd.s32 $0xFFFFFEF7, lr;
	s5 =	simm.s32 $0xFFFFFFFF;
	p2 =	slt.u32 s8, $0xFFFFF086  }
0x1c: {  	p1 =	slt.u32 s9, $0xF7A;
	s5 =	simm.s32 @!p2 $0x0  }
0x1d: {  	s5 =	simm.s32 @p1 $0x1;
	p0 =	seq.s32 s7, s2  }
0x1e: {  	s7 =	smul.u32 @!p0 $0xF7A, s2;
	p2 =	seq.s32 @!p0 s5, $0x0  }
0x1f: {  	s9 =	smul.u32 $0xF7A, s1;
	s8 =	simm.s32 @!p0 $0x1BF5;
	p2 =	por !p2, p0  }
0x20: {  	[sflag:s8] =	ssyncset.s32 @!p0 $0xFFFFF086;
	s6 =	sadd.s32 @!p0 s3, s7;
	s7 =	simm.s32 @!p0 $0x108  }
0x21: {  	s3 =	sadd.s32 s3, s9;
	s6 =	sadd.s32 @!p0 $0x88, s6;
	s7 =	simm.s32 @p2 $0x1082  }
0x22: {  	[simem:s7], [sflag:s8] =	dma.local @!p0 [hbm:s6], $0xF7A  }
0x23: {  	s9 =	sor.u32 $0xD0000000, s2;
	s6 =	simm.s32 $0x108;
	_ =	swait.ge @!p0 [sflag:s8], $0x0  }
0x24: {  	s3 =	sadd.s32 $0x88, s3;
	s6 =	simm.s32 @!p1 $0x1082;
	[sflag:s4] =	ssyncset.s32 $0xFFFFF086  }
0x25: {  	[simem:s6], [sflag:s4] =	dma.local [hbm:s3], $0xF7A  }
0x26: {  	[smem:$0x3F9C] =	sst s1;
	(tag) =	ssettag s2;
	_ =	strace s9  }
0x27: {  	s1 =	sld [smem:$0x3FAC]  }
0x28: {  	s2 =	sld [smem:$0x3FAD]  }
0x29: {  	s4 =	sld [smem:$0x3FAF]  }
0x2a: {  	p0 =	seq.s32 s5, $0x0;
	s5 =	sld [smem:$0x3FB0]  }
0x2b: {  	s6 =	sld [smem:$0x3FB1]  }
0x2c: {  	s7 =	sld [smem:$0x3FB2]  }
0x2d: {  	s3 =	simm.s32 $0x108;
	s8 =	sld [smem:$0x3FB3]  }
0x2e: {  	s3 =	simm.s32 @!p0 $0x1082;
	s9 =	sld [smem:$0x3FB4]  }
0x2f: {  	lr =	sadd.s32 s0, s3;
	s0 =	sld [smem:$0x3FAB]  }
0x30: {  	s3 =	sld [smem:$0x3FAE]  }
0x31: {  	[smem:$0x3FB7] =	sst s10  }
0x32: {  	s10 =	sld [smem:$0x3FB5];
	_ =	sdelay $0x3  }
0x33: {  	p0 =	seq.s32 s10, $0x1;
	s10 =	sld [smem:$0x3FB7];
	_ =	sdelay $0x3  }
0x34: {  	[smem:$0x3FB7] =	sst s10  }
0x35: {  	s10 =	sld [smem:$0x3FB6];
	_ =	sdelay $0x3  }
0x36: {  	p1 =	seq.s32 s10, $0x1;
	s10 =	sld [smem:$0x3FB7];
	_ =	sdelay $0x3  }
0x37: {  	[smem:$0x3FB7] =	sst s10  }
0x38: {  	s10 =	sld [smem:$0x3FB8]  }
0x39: {  	_ = 	snop;
	(pc) =	sbr.ind lr, $3  }
0x3a: {  	_ = 	snop  }
0x3b: {  	_ = 	snop  }
0x3c: {  	p2 =	seq.s32 s10, $0x1;
	s10 =	sld [smem:$0x3FB7]  }
0x3d: {  	_ =	shalt  }
0x3e: {  	_ =	shalt  }
0x3f: {  	_ =	shalt  }
0x40: {  	_ =	shalt  }
0x41: {  	_ =	shalt  }
0x42: {  	_ =	shalt  }
0x43: {  	_ =	shalt  }
0x44: {  	_ =	shalt  }
0x45: {  	_ =	shalt  }
0x46: {  	_ =	shalt  }
0x47: {  	_ =	shalt  }
0x48: {  	_ =	shalt  }
0x49: {  	_ =	shalt  }
0x4a: {  	_ =	shalt  }
0x4b: {  	_ =	shalt  }
0x4c: {  	_ =	shalt  }
0x4d: {  	_ =	shalt  }
0x4e: {  	_ =	shalt  }
0x4f: {  	_ =	shalt  }
0x50: {  	_ =	shalt  }
0x51: {  	_ =	shalt  }
0x52: {  	_ =	shalt  }
0x53: {  	_ =	shalt  }
0x54: {  	_ =	shalt  }
0x55: {  	_ =	shalt  }
0x56: {  	_ =	shalt  }
0x57: {  	_ =	shalt  }
0x58: {  	_ =	shalt  }
0x59: {  	_ =	shalt  }
0x5a: {  	_ =	shalt  }
0x5b: {  	_ =	shalt  }
0x5c: {  	_ =	shalt  }
0x5d: {  	_ =	shalt  }
0x5e: {  	_ =	shalt  }
0x5f: {  	_ =	shalt  }
0x60: {  	_ =	shalt  }
0x61: {  	_ =	shalt  }
0x62: {  	_ =	shalt  }
0x63: {  	_ =	shalt  }
0x64: {  	_ =	shalt  }
0x65: {  	_ =	shalt  }
0x66: {  	_ =	shalt  }
0x67: {  	_ =	shalt  }
0x68: {  	_ =	shalt  }
0x69: {  	_ =	shalt  }
0x6a: {  	_ =	shalt  }
0x6b: {  	_ =	shalt  }
0x6c: {  	_ =	shalt  }
0x6d: {  	_ =	shalt  }
0x6e: {  	_ =	shalt  }
0x6f: {  	_ =	shalt  }
0x70: {  	_ =	shalt  }
0x71: {  	_ =	shalt  }
0x72: {  	_ =	shalt  }
0x73: {  	_ =	shalt  }
0x74: {  	_ =	shalt  }
0x75: {  	_ =	shalt  }
0x76: {  	_ =	shalt  }
0x77: {  	_ =	shalt  }
0x78: {  	_ =	shalt  }
0x79: {  	_ =	shalt  }
0x7a: {  	_ =	shalt  }
0x7b: {  	_ =	shalt  }
0x7c: {  	_ =	shalt  }
0x7d: {  	_ =	shalt  }
0x7e: {  	_ =	shalt  }
0x7f: {  	_ =	shalt  }
0x80: {  	_ =	shalt  }
0x81: {  	_ =	shalt  }
0x82: {  	_ =	shalt  }
0x83: {  	_ =	shalt  }
0x84: {  	_ =	shalt  }
0x85: {  	_ =	shalt  }
0x86: {  	_ =	shalt  }
0x87: {  	_ =	shalt  }
.Lfunc_end0:
.L_simem_size_0:
called_computation_lowered:
.L_overlay_start_0:
0x88: {  	s2 =	sld [smem:$0x3FD9]  }
0x89: {  	s3 =	sld [smem:$0x3FFE];
	_ =	sdelay $0x1  }
0x8a: {  	s1 =	srdreg.scid  }
0x8b: {  	s0 =	sand.u32 $0x1, s1  }
0x8c: {  	s17 =	sshll.u32 s0, $0xA;
	s2 =	sadd.s32 s3, s2  }
0x8d: {  	s2 =	sadd.s32 s2, s17  }
0x8e: {  	[smem:$0x3FC3] =	sst s2  }
0x8f: {  	_ = 	snop  }
0x90: {  	s2 =	sld [smem:$0x3FC9]  }
0x91: {  	s18 =	sld [smem:$0x3FC8]  }
0x92: {  	s4 =	sld [smem:$0x3FD0];
	(tm) =	ssettm $0x1  }
0x93: {  	s5 =	sld [smem:$0x3FFB];
	_ =	sdelay $0x3  }
0x94: {  	_ =	strace s5  }
0x95: {  	s5 =	sld [smem:$0x3FFC];
	_ =	sdelay $0x3  }
0x96: {  	_ =	strace s5  }
0x97: {  	s5 =	sld [smem:$0x3FFD];
	_ =	sdelay $0x3  }
0x98: {  	_ =	strace s5  }
0x99: {  	_ =	strace $0x8FFFFFFF  }
0x9a: {  	s19 =	sld [smem:$0x3FDB];
	_ =	sdelay $0x1  }
0x9b: {  	s6 =	simm.s32 $_scs_section_size  }
0x9c: {  	s7 =	simm.s32 $_size__tile_overlayer_lowered;
	s8 =	simm.s32 $_tile_overlayer_lowered  }
0x9d: {  	s22 =	simm.s32 $0x1BFF;
	s21 =	sshll.u32 s8, $0x1;
	s5 =	sadd.s32 s6, s19  }
0x9e: {  	s9 =	simm.s32 $0x0;
	s20 =	sshll.u32 s7, $0x1;
	s7 =	sadd.s32 s21, s5  }
0x9f: {  	[timem:s9], [sflag:s22] =	dma.local [hbm:s7], s20  }
0xa0: {  	_ =	swait.ge [sflag:s22], s20  }
0xa1: {  	s6 =	ssub.s32 $0x0, s20;
	[sflag:s22] =	ssyncset.done $0x0  }
0xa2: {  	[sflag:s22] =	ssyncadd.s32 s6;
	_ =	sdelay $0x1  }
0xa3: {  	s23 =	simm.s32 $0x1B8B  }
0xa4: {  	_ =	swait.ge [sflag:s23], $0x1  }
0xa5: {  	[sflag:s23] =	ssyncset.done $0x0  }
0xa6: {  	s25 =	simm.s32 $0x1B8E;
	s24 =	sld [smem:$0x3FFE];
	[sflag:s23] =	ssyncadd.s32 $0xFFFFFFFF  }
0xa7: {  	s26 =	simm.s32 $execute0_lowered;
	[smem:$0x3FD2] =	sst s25  }
0xa8: {  	s7 =	sshll.u32 s26, $0x1;
	_ =	strace $0x80000046;
	[dreg:$0x1] =	wrdreg $0xFFFFFFFF  }
0xa9: {  	s28 =	simm.s32 $_size_execute0_lowered;
	s5 =	sadd.s32 s5, s7;
	[dreg:$0x0] =	wrdreg $0x0  }
0xaa: {  	s7 =	sshll.u32 s28, $0x1;
	[dreg:$0x2] =	wrdreg s5  }
0xab: {  	[dreg:$0x3] =	wrdreg s7  }
0xac: {  	[dreg:$0x4] =	wrdreg $0xC0  }
0xad: {  	_ =	task [dreg:s9], $0x5FFFF  }
0xae: {  	[dreg:$0x1] =	wrdreg $0xFFFFFFFF  }
0xaf: {  	[dreg:$0x0] =	wrdreg $0x60  }
0xb0: {  	[dreg:$0x2] =	wrdreg s18  }
0xb1: {  	[dreg:$0x3] =	wrdreg s2  }
0xb2: {  	[dreg:$0x4] =	wrdreg s24  }
0xb3: {  	[dreg:$0x5] =	wrdreg s4  }
0xb4: {  	[dreg:$0x6] =	wrdreg $0x9  }
0xb5: {  	_ =	task.clear_ibuf [dreg:s9], $0x7FFFF;
	_ =	strace $0x90000046  }
0xb6: {  	s29 =	simm.s32 $0x9;
	_ =	strace $0x80000048  }
0xb7: {  	_ =	swait.ge [sflag:s29], $0x1  }
0xb8: {  	[sflag:s29] =	ssyncadd.s32 $0xFFFFFFFF  }
0xb9: {  	_ =	strace $0x90000048  }
0xba: {  	_ =	sfence  }
0xbb: {  	s30 =	sld [smem:$0x0];
	_ =	sdelay $0x2  }
0xbc: {  	s31 =	sshll.u32 s1, $0xD;
	s1 =	sshrl.u32 s1, $0x2  }
0xbd: {  	s3 =	sand.u32 $0x4000, s31;
	s1 =	sadd.s32 s1, s30  }
0xbe: {  	s0 =	sor.u32 s3, s0;
	s1 =	sshll.u32 s1, $0x11  }
0xbf: {  	s0 =	sor.u32 s1, s0  }
0xc0: {  	s0 =	sadd.s32 $0x8F2B, s0  }
0xc1: {  	[sflag:s0] =	ssyncadd.remote.s32 $0x1  }
0xc2: {  	_ =	sfence.sel $0xFFFF  }
0xc3: {  	[dreg:$0x0] =	wrdreg $0xFFFFFFFF;
	(pc) =	sbr.abs _section_cstart, $3  }
0xc4: {  	[dreg:$0x1] =	wrdreg $0xFFFFFFFF  }
0xc5: {  	_ =	task.clear_ibuf [dreg:s9], $0x2FFFF;
	_ =	strace $0x9FFFFFFF  }
0xc6: {  	(tm) =	ssettm $0x7FFFFFFF  }
0xc7: {  	_ =	shalt  }
tec
execute0_lowered:
.L_overlay_start_1:
0x0: {  	(tag) =	ssettag $0x1  }
0x1: {  	s1 =	rddreg [dreg:$0x0]  }
0x2: {  	s2 =	rddreg [dreg:$0x1]  }
0x3: {  	s0 =	rddreg [dreg:$0x2]  }
0x4: {  	s4 =	rddreg [dreg:$0x3]  }
0x5: {  	s3 =	simm.s32 $0x0;
	s6 =	srdreg.scid;
	s7 =	stileid.u32  }
0x6: {  	s11 =	simm.s32 $0x18780;
	s12 =	simm.s32 $0x2;
	s13 =	simm.s32 $0x18800  }
0x7: {  	s14 =	simm.s32 $0x18880;
	s15 =	simm.s32 $0x19080;
	s16 =	simm.s32 $0x19880  }
0x8: {  	s17 =	simm.s32 $0x1A080;
	s18 =	simm.s32 $0x1A880;
	s19 =	simm.s32 $0x1B080  }
0x9: {  	s20 =	simm.s32 $0x1B880;
	s21 =	simm.s32 $0x1C080;
	s22 =	simm.s32 $0x20  }
0xa: {  	s23 =	simm.s32 $0x1C880;
	s24 =	simm.s32 $0x1;
	s6 =	sand.u32 $0x1, s6  }
0xb: {  	[smem:$0x7FF] =	sst s3;
	s7 =	sshll.u32 s7, $0x8;
	s8 =	sshll.u32 s6, $0x7  }
0xc: {  	v0 =	vlaneseq.u32;
	s5 =	sadd.s32 $0x30F000, s0;
	s9 =	ssub.s32 $0x2, s6;
	s7 =	sor.u32 s8, s7  }
0xd: {  	v1 =	vimm.f32 $0.0e+00;
	v2 =	vimm.s32 $0xFFFFFFFF;
	v3 =	vimm.s32 $0xFFFFFFFE;
	_ =	strace $0x80000047;
	s10 =	sshrl.u32 s9, $0x1;
	s31 =	sshrl.u32 s7, $0x3  }
0xe: {  	vm0 =	vmmov $0xffff;
	vm1 =	vmmov $0x3fff;
	vm2 =	vmmov $0xff;
	s6 =	sadd.s32 $0x61C400, s0;
	s30 =	ssub.s32 s9, s10;
	s4 =	sadd.s32 s4, s31  }
0xf: {  	v5 =	vshrl.u32 v0, $0x3;
	v4 =	vand.u32 $0x7, v0;
	v6 =	vor.u32 $0x8, v0;
	s8 =	sadd.s32 $0x188600, s0;
	s0 =	smax.u32 s30, $0x1;
	[dreg:$0x5] =	wrdreg s4  }
0x10: {  	s26 =	simm.s32 $0x0;
	s28 =	simm.s32 $0x0;
	v7 =	vor.u32 $0x80000000, v0;
	v8 =	vadd.s32 $0x1, v0;
	v5 =	vmul.u32 $0x8, v5;
	[dreg:$0x6] =	wrdreg s0  }
.LBB2_1:
0x11: {  	s0 =	simm.s32 $0x40;
	s4 =	simm.s32 $0x0  }
.LBB2_2:
0x12: {  	p0 =	sne.s32 s0, $0x61A80;
	[tilespmem:s4+$0x0] =	vst v1;
	s4 =	smov.u32 s0;
	s0 =	sadd.s32 $0x40, s0  }
.Ltmp0:
0x13: {  	(pc) =	sbr.rel @p0 .LBB2_2-.Ltmp0, $2  }
0x14: {  	_ =	sdelay $0x2  }
0x15: {  	s4 =	sshra.s32 s4, $0x2  }
0x16: {  	[tilespmem:s4+$0x0] =	vst v1  }
0x17: {  	[tilespmem:$0x18700] =	vst v2  }
0x18: {  	s29 =	simm.s32 $0x0;
	[tilespmem:$0x18720] =	vst v3  }
.LBB2_4:
0x19: {  	s0 =	sshll.u32 s29, $0x5  }
0x1a: {  	s4 =	sor.u32 s7, s0  }
0x1b: {  	s4 =	sshrl.u32 s4, $0x3  }
0x1c: {  	s25 =	sadd.s32 s1, s4  }
0x1d: {  	[tilespmem:s11], [sflag:$0x2] =	stream.linear.gather [hbm4b:s25+s28], $0x20, $0x38;
	[tilespmem:$0x1D900] =	vst v63  }
0x1e: {  	_ =	swait.ge [sflag:s12], $0x20  }
0x1f: {  	[sflag:s12] =	ssyncset.done $0x0  }
0x20: {  	s4 =	sadd.s32 s2, s4;
	[sflag:s12] =	ssyncadd.s32 $0xFFFFFFE0  }
0x21: {  	[tilespmem:s13], [sflag:$0x2] =	stream.linear.gather [hbm4b:s4+s28], $0x20, $0x38;
	[tilespmem:$0x1D900] =	vst v63  }
0x22: {  	_ =	swait.ge [sflag:s12], $0x20  }
0x23: {  	[sflag:s12] =	ssyncset.done $0x0  }
0x24: {  	[sflag:s12] =	ssyncadd.s32 $0xFFFFFFE0  }
0x25: {  	v9 =	vld [tilespmem:$0x18780];
	_ =	sdelay $0x4  }
0x26: {  	v10 =	vshll.u32 v9, $0x1  }
0x27: {  	v9 =	vand.u32 $0x7, v9;
	v10 =	vand.u32 $0xFFFFFFF0, v10  }
0x28: {  	v9 =	vor.u32 v9, v10  }
0x29: {  	v10 =	vperm.xlane v9, v4;
	_ =	sdelay $0x1  }
0x2a: {  	v9 =	vperm.xlane v9, v6;
	v10 =	vadd.s32 v5, v10;
	_ =	sdelay $0x1  }
0x2b: {  	v9 =	vadd.s32 v5, v9;
	_ =	sdelay $0x2  }
0x2c: {  	[tilespmem:s14], [sflag:$0x1] =	stream.indirect_vreg.gather [hbm4b:s5+s28], $0x80, v10, vm0, $0xb8;
	[tilespmem:$0x1D900] =	vst v63  }
0x2d: {  	_ = 	snop  }
0x2e: {  	[tilespmem:s15], [sflag:$0x1] =	stream.indirect_vreg.gather [hbm4b:s5+s28], $0x80, v9, vm0, $0xb8;
	[tilespmem:$0x1D900] =	vst v63  }
0x2f: {  	v9 =	vld [tilespmem:$0x18790];
	_ =	sdelay $0x4  }
0x30: {  	v10 =	vshll.u32 v9, $0x1  }
0x31: {  	v9 =	vand.u32 $0x7, v9;
	v10 =	vand.u32 $0xFFFFFFF0, v10  }
0x32: {  	v9 =	vor.u32 v9, v10  }
0x33: {  	v10 =	vperm.xlane v9, v4;
	_ =	sdelay $0x1  }
0x34: {  	v9 =	vperm.xlane v9, v6;
	v10 =	vadd.s32 v5, v10;
	_ =	sdelay $0x1  }
0x35: {  	v9 =	vadd.s32 v5, v9;
	_ =	sdelay $0x2  }
0x36: {  	[tilespmem:s16], [sflag:$0x1] =	stream.indirect_vreg.gather [hbm4b:s5+s28], $0x80, v10, vm0, $0xb8;
	[tilespmem:$0x1D900] =	vst v63  }
0x37: {  	_ = 	snop  }
0x38: {  	[tilespmem:s17], [sflag:$0x1] =	stream.indirect_vreg.gather [hbm4b:s5+s28], $0x80, v9, vm0, $0xb8;
	[tilespmem:$0x1D900] =	vst v63  }
0x39: {  	v9 =	vld [tilespmem:$0x18780];
	_ =	sdelay $0x4  }
0x3a: {  	v10 =	vshll.u32 v9, $0x1  }
0x3b: {  	v9 =	vand.u32 $0x7, v9;
	v10 =	vand.u32 $0xFFFFFFF0, v10  }
0x3c: {  	v9 =	vor.u32 v9, v10  }
0x3d: {  	v10 =	vperm.xlane v9, v4;
	_ =	sdelay $0x1  }
0x3e: {  	v9 =	vperm.xlane v9, v6;
	v10 =	vadd.s32 v5, v10;
	_ =	sdelay $0x1  }
0x3f: {  	v9 =	vadd.s32 v5, v9;
	_ =	sdelay $0x2  }
0x40: {  	[tilespmem:s18], [sflag:$0x1] =	stream.indirect_vreg.gather [hbm4b:s6+s28], $0x80, v10, vm0, $0xb8;
	[tilespmem:$0x1D900] =	vst v63  }
0x41: {  	_ = 	snop  }
0x42: {  	[tilespmem:s19], [sflag:$0x1] =	stream.indirect_vreg.gather [hbm4b:s6+s28], $0x80, v9, vm0, $0xb8;
	[tilespmem:$0x1D900] =	vst v63  }
0x43: {  	v9 =	vld [tilespmem:$0x18790];
	_ =	sdelay $0x4  }
0x44: {  	v10 =	vshll.u32 v9, $0x1  }
0x45: {  	v9 =	vand.u32 $0x7, v9;
	v10 =	vand.u32 $0xFFFFFFF0, v10  }
0x46: {  	v9 =	vor.u32 v9, v10  }
0x47: {  	v10 =	vperm.xlane v9, v4;
	_ =	sdelay $0x1  }
0x48: {  	v9 =	vperm.xlane v9, v6;
	v10 =	vadd.s32 v5, v10;
	_ =	sdelay $0x1  }
0x49: {  	v9 =	vadd.s32 v5, v9;
	_ =	sdelay $0x2  }
0x4a: {  	[tilespmem:s20], [sflag:$0x1] =	stream.indirect_vreg.gather [hbm4b:s6+s28], $0x80, v10, vm0, $0xb8;
	[tilespmem:$0x1D900] =	vst v63  }
0x4b: {  	_ = 	snop  }
0x4c: {  	[tilespmem:s21], [sflag:$0x1] =	stream.indirect_vreg.gather [hbm4b:s6+s28], $0x80, v9, vm0, $0xb8;
	[tilespmem:$0x1D900] =	vst v63  }
0x4d: {  	_ = 	snop  }
0x4e: {  	[tilespmem:s23], [sflag:$0x1] =	stream.indirect.gather [hbm4b:s8+s22], $0x80, s13, s22, $0xb8;
	[tilespmem:$0x1D900] =	vst v63  }
0x4f: {  	_ =	swait.ge [sflag:s24], $0x2000  }
0x50: {  	[sflag:s24] =	ssyncset.done $0x0  }
0x51: {  	[sflag:s24] =	ssyncadd.s32 $0xFFFFE000  }
0x52: {  	_ =	swait.ge [sflag:s24], $0x2000  }
0x53: {  	[sflag:s24] =	ssyncset.done $0x0  }
0x54: {  	[sflag:s24] =	ssyncadd.s32 $0xFFFFE000  }
0x55: {  	_ =	swait.ge [sflag:s24], $0x1000  }
0x56: {  	s0 =	sadd.s32 $0x1D880, s0;
	[sflag:s24] =	ssyncset.done $0x0  }
0x57: {  	p1 =	por $0x1, $0x1;
	s30 =	simm.s32 $0x0;
	v9 =	vmov s0;
	[sflag:s24] =	ssyncadd.s32 $0xFFFFF000  }
.LBB2_5:
0x58: {  	s0 =	sshll.u32 s30, $0xB  }
0x59: {  	s31 =	sshll.u32 s30, $0xC;
	p0 =	por p1, p1;
	s0 =	sand.u32 $0x3FFFF800, s0  }
0x5a: {  	v10 =	vimm.f32 $0.0e+00;
	s4 =	simm.s32 $0x0;
	s25 =	simm.s32 $0x0;
	s0 =	sadd.s32 $0x1C8A0, s0  }
.LBB2_6:
0x5b: {  	v11 =	vld [tilespmem:s0+$0xFFFFFFE0];
	_ =	sdelay $0x4  }
0x5c: {  	(xrf1) =	vsort.ascd.msk.u32 $0xffff, v11, v11;
	_ =	sdelay $0xd  }
0x5d: {  	v11, _, _ =	vpop (xrf1)  }
0x5e: {  	[tilespmem:$0x18710] =	vst v11  }
0x5f: {  	v12 =	vld [tilespmem:$0x1870F];
	_ =	sdelay $0x4  }
0x60: {  	vm3 =	veq.s32 v11, v12  }
0x61: {  	v12 =	vsel vm3, $0x80000000, v7  }
0x62: {  	(xrf0) =	vmax.scan.msk.u32 $0xffff, v12;
	_ =	sdelay $0x1  }
0x63: {  	v23 =	vld [tilespmem:$0x18711];
	_ =	sdelay $0x3  }
0x64: {  	v14 =	vld.idx.msk [tilespmem:v11+s3+$0x0], $0xffff;
	v13, _, _ =	vpop (xrf0)  }
0x65: {  	vm3 =	vne.s32 v11, v23;
	v24 =	vxor.u32 $0x80000000, v13  }
0x66: {  	v12 =	vsub.s32 v8, v24  }
0x67: {  	v12 =	vcvt.s32.f32 v12;
	_ =	sdelay $0x1  }
0x68: {  	v12 =	vadd.f32 v12, v14;
	_ =	sdelay $0x1  }
0x69: {  	[tilespmem:v11+s3+$0x0] =	vst.idx.msk vm3, v12  }
0x6a: {  	v11 =	vld [tilespmem:s0+$0xFFFFFFF0];
	_ =	sdelay $0x4  }
0x6b: {  	(xrf1) =	vsort.ascd.msk.u32 $0xffff, v11, v11;
	_ =	sdelay $0xd  }
0x6c: {  	v11, _, _ =	vpop (xrf1)  }
0x6d: {  	[tilespmem:$0x18710] =	vst v11  }
0x6e: {  	v12 =	vld [tilespmem:$0x1870F];
	_ =	sdelay $0x4  }
0x6f: {  	vm3 =	veq.s32 v11, v12  }
0x70: {  	v12 =	vsel vm3, $0x80000000, v7  }
0x71: {  	(xrf0) =	vmax.scan.msk.u32 $0xffff, v12;
	_ =	sdelay $0x1  }
0x72: {  	v25 =	vld [tilespmem:$0x18711];
	_ =	sdelay $0x3  }
0x73: {  	v27 =	vld.idx.msk [tilespmem:v11+s3+$0x0], $0xffff;
	v26, _, _ =	vpop (xrf0)  }
0x74: {  	vm3 =	vne.s32 v11, v25;
	v28 =	vxor.u32 $0x80000000, v26  }
0x75: {  	v12 =	vsub.s32 v8, v28  }
0x76: {  	v12 =	vcvt.s32.f32 v12;
	_ =	sdelay $0x1  }
0x77: {  	v12 =	vadd.f32 v12, v27;
	_ =	sdelay $0x1  }
0x78: {  	[tilespmem:v11+s3+$0x0] =	vst.idx.msk vm3, v12  }
0x79: {  	v11 =	vld [tilespmem:s0+$0x0];
	_ =	sdelay $0x4  }
0x7a: {  	(xrf1) =	vsort.ascd.msk.u32 $0xffff, v11, v11;
	_ =	sdelay $0xd  }
0x7b: {  	v11, _, _ =	vpop (xrf1)  }
0x7c: {  	[tilespmem:$0x18710] =	vst v11  }
0x7d: {  	v12 =	vld [tilespmem:$0x1870F];
	_ =	sdelay $0x4  }
0x7e: {  	vm3 =	veq.s32 v11, v12  }
0x7f: {  	v12 =	vsel vm3, $0x80000000, v7  }
0x80: {  	(xrf0) =	vmax.scan.msk.u32 $0xffff, v12;
	_ =	sdelay $0x1  }
0x81: {  	v29 =	vld [tilespmem:$0x18711];
	_ =	sdelay $0x3  }
0x82: {  	v31 =	vld.idx.msk [tilespmem:v11+s3+$0x0], $0xffff;
	v30, _, _ =	vpop (xrf0)  }
0x83: {  	vm3 =	vne.s32 v11, v29;
	v32 =	vxor.u32 $0x80000000, v30  }
0x84: {  	v12 =	vsub.s32 v8, v32  }
0x85: {  	v12 =	vcvt.s32.f32 v12;
	_ =	sdelay $0x1  }
0x86: {  	v12 =	vadd.f32 v12, v31;
	_ =	sdelay $0x1  }
0x87: {  	[tilespmem:v11+s3+$0x0] =	vst.idx.msk vm3, v12  }
0x88: {  	v11 =	vld [tilespmem:s0+$0x2];
	_ =	sdelay $0x4  }
0x89: {  	v11 =	vsel vm1, $0x186A0, v11  }
0x8a: {  	(xrf1) =	vsort.ascd.msk.u32 $0xffff, v11, v11;
	_ =	sdelay $0xd  }
0x8b: {  	v11, _, _ =	vpop (xrf1)  }
0x8c: {  	[tilespmem:$0x18710] =	vst v11  }
0x8d: {  	v12 =	vld [tilespmem:$0x1870F];
	_ =	sdelay $0x4  }
0x8e: {  	vm3 =	veq.s32 v11, v12  }
0x8f: {  	v12 =	vsel vm3, $0x80000000, v7  }
0x90: {  	(xrf0) =	vmax.scan.msk.u32 $0xffff, v12;
	_ =	sdelay $0x1  }
0x91: {  	v33 =	vld [tilespmem:$0x18711];
	_ =	sdelay $0x3  }
0x92: {  	v35 =	vld.idx.msk [tilespmem:v11+s3+$0x0], $0xffff;
	v34, _, _ =	vpop (xrf0)  }
0x93: {  	vm3 =	vne.s32 v11, v33;
	v36 =	vxor.u32 $0x80000000, v34  }
0x94: {  	v12 =	vsub.s32 v8, v36  }
0x95: {  	v12 =	vcvt.s32.f32 v12;
	_ =	sdelay $0x1  }
0x96: {  	v12 =	vadd.f32 v12, v35  }
0x97: {  	s9 =	sand.u32 $0x1800, s31;
	s10 =	sand.u32 $0x380, s4  }
0x98: {  	s9 =	sor.u32 s10, s9;
	[tilespmem:v11+s3+$0x0] =	vst.idx.msk vm3, v12  }
0x99: {  	v11 =	vld [tilespmem:s9+$0x18880]  }
0x9a: {  	v12 =	vld [tilespmem:s9+$0x18890]  }
0x9b: {  	v37 =	vld [tilespmem:s9+$0x188A0]  }
0x9c: {  	v38 =	vld [tilespmem:s9+$0x1A880]  }
0x9d: {  	v15 =	vld [tilespmem:s9+$0x188B0]  }
0x9e: {  	v16 =	vld [tilespmem:s9+$0x1A890]  }
0x9f: {  	v17 =	vld [tilespmem:s9+$0x1A8A0]  }
0xa0: {  	v18 =	vld [tilespmem:s9+$0x188C0]  }
0xa1: {  	v19 =	vld [tilespmem:s9+$0x188D0]  }
0xa2: {  	v20 =	vld [tilespmem:s9+$0x1A8B0]  }
0xa3: {  	v21 =	vld [tilespmem:s9+$0x188E0]  }
0xa4: {  	v22 =	vld [tilespmem:s9+$0x1A8C0]  }
0xa5: {  	v23 =	vld [tilespmem:s9+$0x188F0]  }
0xa6: {  	v24 =	vld [tilespmem:s9+$0x1A8D0]  }
0xa7: {  	v25 =	vld [tilespmem:s9+$0x18C80]  }
0xa8: {  	v26 =	vld [tilespmem:s9+$0x1A8E0]  }
0xa9: {  	v27 =	vld [tilespmem:s9+$0x1A8F0]  }
0xaa: {  	v28 =	vld [tilespmem:s9+$0x18C90]  }
0xab: {  	v29 =	vld [tilespmem:s9+$0x1AC80]  }
0xac: {  	v30 =	vld [tilespmem:s9+$0x18CA0]  }
0xad: {  	v40 =	vld [tilespmem:s9+$0x18CB0]  }
0xae: {  	v41 =	vld [tilespmem:s9+$0x1AC90]  }
0xaf: {  	v11 =	vld.idx.msk [tilespmem:v11+s3+$0x0], $0xffff  }
0xb0: {  	v31 =	vld [tilespmem:s9+$0x18CB8]  }
0xb1: {  	v12 =	vld.idx.msk [tilespmem:v12+s3+$0x0], $0xffff  }
0xb2: {  	v43 =	vld [tilespmem:s0+$0xFFFFFFE0]  }
0xb3: {  	v13 =	vld.idx.msk [tilespmem:v37+s3+$0x0], $0xffff  }
0xb4: {  	v46 =	vld [tilespmem:s9+$0x1ACA0];
	v11 =	vmul.f32 v11, v38  }
0xb5: {  	v15 =	vld.idx.msk [tilespmem:v15+s3+$0x0], $0xffff  }
0xb6: {  	v49 =	vld [tilespmem:s9+$0x1ACB0];
	v12 =	vmul.f32 v12, v16;
	v11 =	vadd.f32 $0.0e+00, v11  }
0xb7: {  	v18 =	vld.idx.msk [tilespmem:v18+s3+$0x0], $0xffff  }
0xb8: {  	v52 =	vld [tilespmem:s9+$0x1ACB8];
	v42 =	vmul.f32 v13, v17;
	v11 =	vadd.f32 v12, v11  }
0xb9: {  	v19 =	vld.idx.msk [tilespmem:v19+s3+$0x0], $0xffff  }
0xba: {  	v21 =	vld.idx.msk [tilespmem:v21+s3+$0x0], $0xffff;
	v45 =	vmul.f32 v15, v20;
	v11 =	vadd.f32 v42, v11  }
0xbb: {  	v23 =	vld.idx.msk [tilespmem:v23+s3+$0x0], $0xffff  }
0xbc: {  	v39 =	vld.idx.msk [tilespmem:v25+s3+$0x0], $0xffff;
	v48 =	vmul.f32 v18, v22;
	v11 =	vadd.f32 v45, v11  }
0xbd: {  	v44 =	vld.idx.msk [tilespmem:v28+s3+$0x0], $0xffff  }
0xbe: {  	v47 =	vld.idx.msk [tilespmem:v30+s3+$0x0], $0xffff;
	v51 =	vmul.f32 v19, v24;
	v11 =	vadd.f32 v48, v11  }
0xbf: {  	v50 =	vld.idx.msk [tilespmem:v40+s3+$0x0], $0xffff  }
0xc0: {  	v53 =	vld.idx.msk [tilespmem:v31+s3+$0x0], $0xffff;
	[tilespmem:v43+s3+$0x0] =	vst.idx.msk $0xffff, v1;
	v54 =	vmul.f32 v21, v26;
	v11 =	vadd.f32 v51, v11  }
0xc1: {  	v13 =	vld [tilespmem:s0+$0xFFFFFFF0]  }
0xc2: {  	v55 =	vmul.f32 v23, v27;
	v11 =	vadd.f32 v54, v11;
	_ =	sdelay $0x1  }
0xc3: {  	v56 =	vmul.f32 v39, v29;
	v11 =	vadd.f32 v55, v11;
	_ =	sdelay $0x1  }
0xc4: {  	v57 =	vmul.f32 v44, v41;
	v11 =	vadd.f32 v56, v11;
	_ =	sdelay $0x1  }
0xc5: {  	v58 =	vmul.f32 v47, v46;
	v11 =	vadd.f32 v57, v11  }
0xc6: {  	[tilespmem:v13+s3+$0x0] =	vst.idx.msk $0xffff, v1  }
0xc7: {  	v59 =	vmul.f32 v50, v49;
	v13 =	vld [tilespmem:s0+$0x0];
	v11 =	vadd.f32 v58, v11  }
0xc8: {  	v60 =	vsel vm2, $0x0, v52  }
0xc9: {  	v61 =	vmul.f32 v53, v60;
	v11 =	vadd.f32 v59, v11;
	_ =	sdelay $0x1  }
0xca: {  	v11 =	vadd.f32 v61, v11;
	_ =	sdelay $0x1  }
0xcb: {  	(xrf2) =	vadd.scan.msk.f32 $0xffff, v11;
	_ =	sdelay $0x1  }
0xcc: {  	[tilespmem:v13+s3+$0x0] =	vst.idx.msk $0xffff, v1  }
0xcd: {  	v11 =	vld [tilespmem:s0+$0x2];
	_ =	sdelay $0x4  }
0xce: {  	p1 =	sne.s32 s25, $0xF;
	v11 =	vsel vm1, $0x186A0, v11  }
.Ltmp1:
0xcf: {  	_ = 	snop;
	(pc) =	sbr.rel @p1 .LBB2_6-.Ltmp1, $4  }
0xd0: {  	v62, _, _ =	vpop (xrf2)  }
0xd1: {  	v63 =	vmov s25;
	v12 =	vbroadcast v62, $0xF  }
0xd2: {  	s4 =	sadd.s32 $0x80, s4;
	vm3 =	veq.s32 v63, v0  }
0xd3: {  	s31 =	sadd.s32 $0x100, s31;
	s25 =	sadd.s32 $0x1, s25;
	s0 =	sadd.s32 $0x80, s0;
	[tilespmem:v11+s3+$0x0] =	vst.idx.msk $0xffff, v1;
	v10 =	vsel vm3, v12, v10  }
.Ltmp2:
0xd4: {  	_ = 	snop;
	(pc) =	sbr.rel @p0 .LBB2_5-.Ltmp2, $4  }
0xd5: {  	_ = 	snop  }
0xd6: {  	s0 =	sshll.u32 s30, $0x4  }
0xd7: {  	s0 =	sand.u32 $0x3FFFFFF0, s0  }
0xd8: {  	s30 =	simm.s32 $0x1;
	p1 =	por $0x0, $0x0;
	[tilespmem:v9+s0+$0x0 ss:$0x1] =	vst.idx.msk $0xffff, v10  }
0xd9: {  	s29 =	sadd.s32 $0x1, s29  }
0xda: {  	p0 =	sne.s32 s29, $0x4  }
.Ltmp3:
0xdb: {  	_ = 	snop;
	(pc) =	sbr.rel @p0 .LBB2_4-.Ltmp3, $1  }
0xdc: {  	_ =	sdelay $0x3  }
0xdd: {  	s0 =	rddreg [dreg:$0x5];
	s4 =	simm.s32 $0x1D880  }
0xde: {  	[hbm4b:s0+s3] =	stream.linear.scatter [tilespmem:s4], [sflag:$0x2], $0x80, $0x38;
	[tilespmem:$0x1D900] =	vst v63  }
0xdf: {  	_ =	swait.ge [sflag:s12], $0x80  }
0xe0: {  	s26 =	sadd.s32 $0x1, s26;
	s31 =	rddreg [dreg:$0x6]  }
0xe1: {  	p0 =	sne.s32 s26, s31  }
.Ltmp4:
0xe2: {  	_ = 	snop;
	(pc) =	sbr.rel @p0 .LBB2_1-.Ltmp4, $3  }
0xe3: {  	_ =	sdelay $0x1  }
0xe4: {  	[sflag:s12] =	ssyncset.done $0x0  }
0xe5: {  	[sflag:s12] =	ssyncadd.s32 $0xFFFFFF80  }
0xe6: {  	_ =	sfence.sel $0x180000  }
0xe7: {  	[bflag:$0x0] =	sbarrier.arrive $0xFFFF  }
0xe8: {  	_ =	strace $0x90000047  }
0xe9: {  	s0 =	stileid.u32;
	[bflag:$0x2] =	sbarrier.arrive $0xFFFF  }
0xea: {  	p0 =	sne.s32 s0, $0x0;
	s0 =	rddreg [dreg:$0x4]  }
0xeb: {  	s0 =	sadd.s32 @!p0 $0x100000, s0  }
0xec: {  	[sflag:s0] =	ssyncadd.tile.s32 @!p0 $0x1;
	_ =	shalt  }
.Lfunc_end2:
_tile_overlayer_lowered:
.L_overlay_start_2:
0xed: {  	(tag) =	ssettag $0x2  }
0xee: {  	s0 =	rddreg [dreg:$0x0];
	s2 =	stileid.u32  }
0xef: {  	s1 =	rddreg [dreg:$0x1];
	p0 =	sne.s32 s2, $0x0  }
0xf0: {  	s3 =	rddreg [dreg:$0x2];
	[bflag:$0x3] =	sbarrier.arrive $0xFFFF;
	s2 =	simm.s32 @!p0 $0x1C02  }
0xf1: {  	[timem:s3], [sflag:s2] =	dma.local @!p0 [hbm:s0], s1  }
0xf2: {  	s0 =	simm.s32 @!p0 $0x2  }
0xf3: {  	_ =	swait.ge @!p0 [sflag:s0], s1  }
0xf4: {  	s1 =	ssub.s32 @!p0 $0x0, s1;
	[sflag:s0] =	ssyncset.done @!p0 $0x0  }
0xf5: {  	[sflag:s0] =	ssyncadd.s32 @!p0 s1  }
0xf6: {  	[bflag:$0x3] =	sbarrier.arrive $0xFFFF  }
0xf7: {  	_ =	shalt  }

</sc_bundles>
